<compile_context>
chip_gen: v7x
topology: tpu7x:2x2x1
jax: 0.10.2.dev20260603
libtpu: 0.0.44.dev20260713+nightly
codegen_flags: <defaults>
</compile_context>

<pallas_src>
import functools

import jax
import jax.numpy as jnp
from jax import lax
from jax.experimental import pallas as pl
from jax.experimental.pallas import tpu as pltpu
from jax.experimental.pallas import tpu_sc as plsc

_NC = 2
_NS = 16
_NW = _NC * _NS
_L = 16
_NB = 5


def _sc_call(e0, e1, c0, c1, feat, labels, E, D):
    N = labels.shape[0]
    CH = E // _NW
    FB = 80
    NFB = CH // FB

    mesh = plsc.VectorSubcoreMesh(core_axis_name="c", subcore_axis_name="s")

    @functools.partial(
        pl.kernel,
        mesh=mesh,
        compiler_params=pltpu.CompilerParams(needs_layout_passes=False),
        out_type=(
            jax.ShapeDtypeStruct((E, D), jnp.float32),
            jax.ShapeDtypeStruct((E,), jnp.int32),
            jax.ShapeDtypeStruct((E,), jnp.int32),
            jax.ShapeDtypeStruct((E,), jnp.float32),
            jax.ShapeDtypeStruct((E,), jnp.float32),
        ),
        scratch_types=[
            pltpu.VMEM((N,), jnp.int32),
            pltpu.VMEM((CH,), jnp.int32),
            pltpu.VMEM((CH,), jnp.int32),
            pltpu.VMEM((CH,), jnp.float32),
            pltpu.VMEM((CH,), jnp.float32),
            pltpu.VMEM((CH,), jnp.float32),
            pltpu.VMEM((_NB, FB, D), jnp.float32),
            pltpu.SemaphoreType.DMA,
            [pltpu.SemaphoreType.DMA] * _NB,
            [pltpu.SemaphoreType.DMA] * _NB,
        ],
    )
    def sc_kern(e0_hbm, e1_hbm, c0_hbm, c1_hbm, feat_hbm, labels_hbm,
                feat_out_hbm, e0o_hbm, e1o_hbm, c0o_hbm, c1o_hbm,
                labels_v, e0v, e1v, c0v, c1v, mv, fv,
                sem_col, sems_in, sems_out):
        wid = lax.axis_index("s") * _NC + lax.axis_index("c")
        b1 = wid * CH

        def in_slice(blk):
            row0 = pl.multiple_of(b1 + blk * FB, 8)
            return feat_hbm.at[pl.ds(row0, FB)]

        def out_slice(blk):
            row0 = pl.multiple_of(b1 + blk * FB, 8)
            return feat_out_hbm.at[pl.ds(row0, FB)]

        h0 = pltpu.async_copy(labels_hbm, labels_v, sem_col)
        h1 = pltpu.async_copy(e0_hbm.at[pl.ds(b1, CH)], e0v, sem_col)
        h2 = pltpu.async_copy(e1_hbm.at[pl.ds(b1, CH)], e1v, sem_col)
        h3 = pltpu.async_copy(c0_hbm.at[pl.ds(b1, CH)], c0v, sem_col)
        h4 = pltpu.async_copy(c1_hbm.at[pl.ds(b1, CH)], c1v, sem_col)

        for b in range(_NB):
            pltpu.async_copy(in_slice(b), fv.at[b], sems_in[b])

        h0.wait()
        h1.wait()
        h2.wait()
        h3.wait()
        h4.wait()

        def body_mask(i, carry):
            off = pl.multiple_of(i * _L, _L)
            l0 = plsc.load_gather(labels_v, [e0v[pl.ds(off, _L)]])
            l1 = plsc.load_gather(labels_v, [e1v[pl.ds(off, _L)]])
            k = l0 & l1
            kf = k.astype(jnp.float32)
            mv[pl.ds(off, _L)] = kf
            e0v[pl.ds(off, _L)] = e0v[pl.ds(off, _L)] * k
            e1v[pl.ds(off, _L)] = e1v[pl.ds(off, _L)] * k
            c0v[pl.ds(off, _L)] = c0v[pl.ds(off, _L)] * kf
            c1v[pl.ds(off, _L)] = c1v[pl.ds(off, _L)] * kf
            return carry

        lax.fori_loop(0, CH // _L, body_mask, 0)

        hc0 = pltpu.async_copy(e0v, e0o_hbm.at[pl.ds(b1, CH)], sem_col)
        hc1 = pltpu.async_copy(e1v, e1o_hbm.at[pl.ds(b1, CH)], sem_col)
        hc2 = pltpu.async_copy(c0v, c0o_hbm.at[pl.ds(b1, CH)], sem_col)
        hc3 = pltpu.async_copy(c1v, c1o_hbm.at[pl.ds(b1, CH)], sem_col)

        def round_body(g, carry):
            blk0 = g * _NB
            for b in range(_NB):
                blk = blk0 + b
                pltpu.make_async_copy(in_slice(blk), fv.at[b], sems_in[b]).wait()

                basev = jnp.full((_L,), blk * FB, jnp.int32)

                def body_row(e, c2):
                    kf = plsc.load_gather(mv, [basev + e])
                    for j in range(D // _L):
                        fv[b, e, pl.ds(j * _L, _L)] = (
                            fv[b, e, pl.ds(j * _L, _L)] * kf
                        )
                    return c2

                lax.fori_loop(0, FB, body_row, 0)
                pltpu.async_copy(fv.at[b], out_slice(blk), sems_out[b])

                rblk = blk + 2
                rb = (b + 2) % _NB

                @pl.when(jnp.logical_and(rblk >= _NB, rblk < NFB))
                def _():
                    pltpu.make_async_copy(
                        fv.at[rb], out_slice(rblk - _NB), sems_out[rb]
                    ).wait()
                    pltpu.async_copy(in_slice(rblk), fv.at[rb], sems_in[rb])

            return carry

        lax.fori_loop(0, NFB // _NB, round_body, 0)

        for b in range(_NB):
            blk = NFB - _NB + b
            pltpu.make_async_copy(fv.at[b], out_slice(blk), sems_out[b]).wait()
        hc0.wait()
        hc1.wait()
        hc2.wait()
        hc3.wait()

    return sc_kern(e0, e1, c0, c1, feat, labels)


def kernel(edge_feat, edges, edge_classes, detector_labels):
    E, D = edge_feat.shape
    edges_i = edges.astype(jnp.int32)
    labels = detector_labels.astype(jnp.int32)

    feat_out, e0o, e1o, c0o, c1o = _sc_call(
        edges_i[:, 0], edges_i[:, 1],
        edge_classes[:, 0], edge_classes[:, 1],
        edge_feat, labels, E, D,
    )

    return (
        feat_out,
        jnp.stack([e0o, e1o], axis=1).astype(edges.dtype),
        jnp.stack([c0o, c1o], axis=1),
    )

# --- scband reference (transcript-rebuilt; emitter-appended) ---
"""Pipeline reference for scband-split-syndromes-attention-23828478558654 (READ-ONLY COPY).

The authoritative reference and input builder live on the scoring server;
editing this copy changes nothing except your own understanding.
"""

import jax, jax.numpy as jnp
import numpy as np

E = 320000
N = 10000
D = 128
C = 2

def setup_inputs(seed: int = 0) -> dict:
    key = jax.random.key(seed)
    k1, k2, k3, k4 = jax.random.split(key, 4)
    edge_feat = jax.random.normal(k1, (E, D), dtype=jnp.float32)
    edges = jax.random.randint(k2, (E, 2), 0, N, dtype=jnp.int64)
    edge_classes = jax.random.normal(k3, (E, C), dtype=jnp.float32)
    detector_labels = jax.random.randint(k4, (N,), 0, 2).astype(jnp.bool_)
    return {"edge_feat": edge_feat, "edges": edges, "edge_classes": edge_classes, "detector_labels": detector_labels}

def reference(edge_feat, edges, edge_classes, detector_labels):
    endpoint_in_subset = detector_labels[edges]
    valid_labels = endpoint_in_subset.sum(axis=-1) != 2
    edges_out = jnp.where(valid_labels[:, None], jnp.zeros((), dtype=edges.dtype), edges)
    edge_feat_out = jnp.where(valid_labels[:, None], jnp.zeros((), dtype=edge_feat.dtype), edge_feat)
    edge_classes_out = jnp.where(valid_labels[:, None], jnp.zeros((), dtype=edge_classes.dtype), edge_classes)
    return (edge_feat_out, edges_out, edge_classes_out)

if __name__ == "__main__":
    import jax
    _d = setup_inputs()
    print(jax.jit(kernel)(*tuple(_d.values())))

</pallas_src>

<mosaic_0001>
#map = affine_map<(d0, d1) -> (0)>
#map1 = affine_map<(d0, d1) -> (0, 0)>
module attributes {stable_mosaic.version = 14 : i64} {
  func.func @sc_kern(%arg0: i32, %arg1: i32, %arg2: memref<320000xi32, #tpu.memory_space<hbm>>, %arg3: memref<320000xi32, #tpu.memory_space<hbm>>, %arg4: memref<320000xf32, #tpu.memory_space<hbm>>, %arg5: memref<320000xf32, #tpu.memory_space<hbm>>, %arg6: memref<320000x128xf32, #tpu.memory_space<hbm>>, %arg7: memref<10000xi32, #tpu.memory_space<hbm>>, %arg8: memref<320000x128xf32, #tpu.memory_space<hbm>>, %arg9: memref<320000xi32, #tpu.memory_space<hbm>>, %arg10: memref<320000xi32, #tpu.memory_space<hbm>>, %arg11: memref<320000xf32, #tpu.memory_space<hbm>>, %arg12: memref<320000xf32, #tpu.memory_space<hbm>>, %arg13: memref<10000xi32, #tpu.memory_space<vmem>>, %arg14: memref<10000xi32, #tpu.memory_space<vmem>>, %arg15: memref<10000xi32, #tpu.memory_space<vmem>>, %arg16: memref<10000xf32, #tpu.memory_space<vmem>>, %arg17: memref<10000xf32, #tpu.memory_space<vmem>>, %arg18: memref<10000xf32, #tpu.memory_space<vmem>>, %arg19: memref<5x80x128xf32, #tpu.memory_space<vmem>>, %arg20: memref<!tpu.dma_semaphore, #tpu.memory_space<semaphore_mem>>, %arg21: memref<!tpu.dma_semaphore, #tpu.memory_space<semaphore_mem>>, %arg22: memref<!tpu.dma_semaphore, #tpu.memory_space<semaphore_mem>>, %arg23: memref<!tpu.dma_semaphore, #tpu.memory_space<semaphore_mem>>, %arg24: memref<!tpu.dma_semaphore, #tpu.memory_space<semaphore_mem>>, %arg25: memref<!tpu.dma_semaphore, #tpu.memory_space<semaphore_mem>>, %arg26: memref<!tpu.dma_semaphore, #tpu.memory_space<semaphore_mem>>, %arg27: memref<!tpu.dma_semaphore, #tpu.memory_space<semaphore_mem>>, %arg28: memref<!tpu.dma_semaphore, #tpu.memory_space<semaphore_mem>>, %arg29: memref<!tpu.dma_semaphore, #tpu.memory_space<semaphore_mem>>, %arg30: memref<!tpu.dma_semaphore, #tpu.memory_space<semaphore_mem>>) attributes {dimension_semantics = [#tpu.dimension_semantics<core_parallel>, #tpu.dimension_semantics<subcore_parallel>], iteration_bounds = array<i64: 2, 16>, scalar_prefetch = 0 : i64, scratch_operands = 18 : i64, tpu.core_type = #tpu.core_type<sc_vector_subcore>, window_params = [{transform_indices = #map}, {transform_indices = #map}, {transform_indices = #map}, {transform_indices = #map}, {transform_indices = #map1}, {transform_indices = #map}, {transform_indices = #map1}, {transform_indices = #map}, {transform_indices = #map}, {transform_indices = #map}, {transform_indices = #map}]} {
    %mul3A = arith.constant 2 : i32
    %mul3A_0 = arith.muli %arg1, %mul3A : i32
    %add3A = arith.addi %mul3A_0, %arg0 : i32
    %mul3A_1 = arith.constant 10000 : i32
    %mul3A_2 = arith.muli %add3A, %mul3A_1 : i32
    tpu.enqueue_dma source(%arg7 : memref<10000xi32, #tpu.memory_space<hbm>>) target(%arg13 : memref<10000xi32, #tpu.memory_space<vmem>>) target_semaphore(%arg20 : memref<!tpu.dma_semaphore, #tpu.memory_space<semaphore_mem>>)
    %dma_start3A = tpu.memref_slice %arg2[%mul3A_2] : memref<320000xi32, #tpu.memory_space<hbm>> -> memref<10000xi32, #tpu.memory_space<hbm>>
    %dma_start3A_3 = tpu.memref_slice %arg2[%mul3A_2] : memref<320000xi32, #tpu.memory_space<hbm>> -> memref<10000xi32, #tpu.memory_space<hbm>>
    tpu.enqueue_dma source(%dma_start3A_3 : memref<10000xi32, #tpu.memory_space<hbm>>) target(%arg14 : memref<10000xi32, #tpu.memory_space<vmem>>) target_semaphore(%arg20 : memref<!tpu.dma_semaphore, #tpu.memory_space<semaphore_mem>>)
    %dma_start3A_4 = tpu.memref_slice %arg3[%mul3A_2] : memref<320000xi32, #tpu.memory_space<hbm>> -> memref<10000xi32, #tpu.memory_space<hbm>>
    %dma_start3A_5 = tpu.memref_slice %arg3[%mul3A_2] : memref<320000xi32, #tpu.memory_space<hbm>> -> memref<10000xi32, #tpu.memory_space<hbm>>
    tpu.enqueue_dma source(%dma_start3A_5 : memref<10000xi32, #tpu.memory_space<hbm>>) target(%arg15 : memref<10000xi32, #tpu.memory_space<vmem>>) target_semaphore(%arg20 : memref<!tpu.dma_semaphore, #tpu.memory_space<semaphore_mem>>)
    %dma_start3A_6 = tpu.memref_slice %arg4[%mul3A_2] : memref<320000xf32, #tpu.memory_space<hbm>> -> memref<10000xf32, #tpu.memory_space<hbm>>
    %dma_start3A_7 = tpu.memref_slice %arg4[%mul3A_2] : memref<320000xf32, #tpu.memory_space<hbm>> -> memref<10000xf32, #tpu.memory_space<hbm>>
    tpu.enqueue_dma source(%dma_start3A_7 : memref<10000xf32, #tpu.memory_space<hbm>>) target(%arg16 : memref<10000xf32, #tpu.memory_space<vmem>>) target_semaphore(%arg20 : memref<!tpu.dma_semaphore, #tpu.memory_space<semaphore_mem>>)
    %dma_start3A_8 = tpu.memref_slice %arg5[%mul3A_2] : memref<320000xf32, #tpu.memory_space<hbm>> -> memref<10000xf32, #tpu.memory_space<hbm>>
    %dma_start3A_9 = tpu.memref_slice %arg5[%mul3A_2] : memref<320000xf32, #tpu.memory_space<hbm>> -> memref<10000xf32, #tpu.memory_space<hbm>>
    tpu.enqueue_dma source(%dma_start3A_9 : memref<10000xf32, #tpu.memory_space<hbm>>) target(%arg17 : memref<10000xf32, #tpu.memory_space<vmem>>) target_semaphore(%arg20 : memref<!tpu.dma_semaphore, #tpu.memory_space<semaphore_mem>>)
    %add3A_10 = arith.constant 0 : i32
    %add3A_11 = arith.addi %mul3A_2, %add3A_10 : i32
    %multiple_of3A = tpu.assume_multiple %add3A_11, 8 : i32
    %dma_start3A_12 = arith.constant 0 : i32
    %dma_start3A_13 = arith.constant 0 : i32
    %dma_start3A_14 = arith.constant 0 : i32
    %dma_start3A_15 = tpu.memref_slice %arg19[%dma_start3A_12, %dma_start3A_13, %dma_start3A_14] : memref<5x80x128xf32, #tpu.memory_space<vmem>> -> memref<1x80x128xf32, #tpu.memory_space<vmem>>
    %dma_start3A_16 = tpu.memref_squeeze %dma_start3A_15 : memref<1x80x128xf32, #tpu.memory_space<vmem>> -> memref<80x128xf32, #tpu.memory_space<vmem>>
    %dma_start3A_17 = arith.constant 0 : i32
    %dma_start3A_18 = tpu.memref_slice %arg6[%multiple_of3A, %dma_start3A_17] : memref<320000x128xf32, #tpu.memory_space<hbm>> -> memref<80x128xf32, #tpu.memory_space<hbm>>
    %dma_start3A_19 = arith.constant 0 : i32
    %dma_start3A_20 = arith.constant 0 : i32
    %dma_start3A_21 = tpu.memref_slice %arg19[%dma_start3A_12, %dma_start3A_19, %dma_start3A_20] : memref<5x80x128xf32, #tpu.memory_space<vmem>> -> memref<1x80x128xf32, #tpu.memory_space<vmem>>
    %dma_start3A_22 = tpu.memref_squeeze %dma_start3A_21 : memref<1x80x128xf32, #tpu.memory_space<vmem>> -> memref<80x128xf32, #tpu.memory_space<vmem>>
    %dma_start3A_23 = arith.constant 0 : i32
    %dma_start3A_24 = tpu.memref_slice %arg6[%multiple_of3A, %dma_start3A_23] : memref<320000x128xf32, #tpu.memory_space<hbm>> -> memref<80x128xf32, #tpu.memory_space<hbm>>
    tpu.enqueue_dma source(%dma_start3A_24 : memref<80x128xf32, #tpu.memory_space<hbm>>) target(%dma_start3A_22 : memref<80x128xf32, #tpu.memory_space<vmem>>) target_semaphore(%arg21 : memref<!tpu.dma_semaphore, #tpu.memory_space<semaphore_mem>>)
    %add3A_25 = arith.constant 80 : i32
    %add3A_26 = arith.addi %mul3A_2, %add3A_25 : i32
    %multiple_of3A_27 = tpu.assume_multiple %add3A_26, 8 : i32
    %dma_start3A_28 = arith.constant 1 : i32
    %dma_start3A_29 = arith.constant 0 : i32
    %dma_start3A_30 = arith.constant 0 : i32
    %dma_start3A_31 = tpu.memref_slice %arg19[%dma_start3A_28, %dma_start3A_29, %dma_start3A_30] : memref<5x80x128xf32, #tpu.memory_space<vmem>> -> memref<1x80x128xf32, #tpu.memory_space<vmem>>
    %dma_start3A_32 = tpu.memref_squeeze %dma_start3A_31 : memref<1x80x128xf32, #tpu.memory_space<vmem>> -> memref<80x128xf32, #tpu.memory_space<vmem>>
    %dma_start3A_33 = arith.constant 0 : i32
    %dma_start3A_34 = tpu.memref_slice %arg6[%multiple_of3A_27, %dma_start3A_33] : memref<320000x128xf32, #tpu.memory_space<hbm>> -> memref<80x128xf32, #tpu.memory_space<hbm>>
    %dma_start3A_35 = arith.constant 0 : i32
    %dma_start3A_36 = arith.constant 0 : i32
    %dma_start3A_37 = tpu.memref_slice %arg19[%dma_start3A_28, %dma_start3A_35, %dma_start3A_36] : memref<5x80x128xf32, #tpu.memory_space<vmem>> -> memref<1x80x128xf32, #tpu.memory_space<vmem>>
    %dma_start3A_38 = tpu.memref_squeeze %dma_start3A_37 : memref<1x80x128xf32, #tpu.memory_space<vmem>> -> memref<80x128xf32, #tpu.memory_space<vmem>>
    %dma_start3A_39 = arith.constant 0 : i32
    %dma_start3A_40 = tpu.memref_slice %arg6[%multiple_of3A_27, %dma_start3A_39] : memref<320000x128xf32, #tpu.memory_space<hbm>> -> memref<80x128xf32, #tpu.memory_space<hbm>>
    tpu.enqueue_dma source(%dma_start3A_40 : memref<80x128xf32, #tpu.memory_space<hbm>>) target(%dma_start3A_38 : memref<80x128xf32, #tpu.memory_space<vmem>>) target_semaphore(%arg22 : memref<!tpu.dma_semaphore, #tpu.memory_space<semaphore_mem>>)
    %add3A_41 = arith.constant 160 : i32
    %add3A_42 = arith.addi %mul3A_2, %add3A_41 : i32
    %multiple_of3A_43 = tpu.assume_multiple %add3A_42, 8 : i32
    %dma_start3A_44 = arith.constant 2 : i32
    %dma_start3A_45 = arith.constant 0 : i32
    %dma_start3A_46 = arith.constant 0 : i32
    %dma_start3A_47 = tpu.memref_slice %arg19[%dma_start3A_44, %dma_start3A_45, %dma_start3A_46] : memref<5x80x128xf32, #tpu.memory_space<vmem>> -> memref<1x80x128xf32, #tpu.memory_space<vmem>>
    %dma_start3A_48 = tpu.memref_squeeze %dma_start3A_47 : memref<1x80x128xf32, #tpu.memory_space<vmem>> -> memref<80x128xf32, #tpu.memory_space<vmem>>
    %dma_start3A_49 = arith.constant 0 : i32
    %dma_start3A_50 = tpu.memref_slice %arg6[%multiple_of3A_43, %dma_start3A_49] : memref<320000x128xf32, #tpu.memory_space<hbm>> -> memref<80x128xf32, #tpu.memory_space<hbm>>
    %dma_start3A_51 = arith.constant 0 : i32
    %dma_start3A_52 = arith.constant 0 : i32
    %dma_start3A_53 = tpu.memref_slice %arg19[%dma_start3A_44, %dma_start3A_51, %dma_start3A_52] : memref<5x80x128xf32, #tpu.memory_space<vmem>> -> memref<1x80x128xf32, #tpu.memory_space<vmem>>
    %dma_start3A_54 = tpu.memref_squeeze %dma_start3A_53 : memref<1x80x128xf32, #tpu.memory_space<vmem>> -> memref<80x128xf32, #tpu.memory_space<vmem>>
    %dma_start3A_55 = arith.constant 0 : i32
    %dma_start3A_56 = tpu.memref_slice %arg6[%multiple_of3A_43, %dma_start3A_55] : memref<320000x128xf32, #tpu.memory_space<hbm>> -> memref<80x128xf32, #tpu.memory_space<hbm>>
    tpu.enqueue_dma source(%dma_start3A_56 : memref<80x128xf32, #tpu.memory_space<hbm>>) target(%dma_start3A_54 : memref<80x128xf32, #tpu.memory_space<vmem>>) target_semaphore(%arg23 : memref<!tpu.dma_semaphore, #tpu.memory_space<semaphore_mem>>)
    %add3A_57 = arith.constant 240 : i32
    %add3A_58 = arith.addi %mul3A_2, %add3A_57 : i32
    %multiple_of3A_59 = tpu.assume_multiple %add3A_58, 8 : i32
    %dma_start3A_60 = arith.constant 3 : i32
    %dma_start3A_61 = arith.constant 0 : i32
    %dma_start3A_62 = arith.constant 0 : i32
    %dma_start3A_63 = tpu.memref_slice %arg19[%dma_start3A_60, %dma_start3A_61, %dma_start3A_62] : memref<5x80x128xf32, #tpu.memory_space<vmem>> -> memref<1x80x128xf32, #tpu.memory_space<vmem>>
    %dma_start3A_64 = tpu.memref_squeeze %dma_start3A_63 : memref<1x80x128xf32, #tpu.memory_space<vmem>> -> memref<80x128xf32, #tpu.memory_space<vmem>>
    %dma_start3A_65 = arith.constant 0 : i32
    %dma_start3A_66 = tpu.memref_slice %arg6[%multiple_of3A_59, %dma_start3A_65] : memref<320000x128xf32, #tpu.memory_space<hbm>> -> memref<80x128xf32, #tpu.memory_space<hbm>>
    %dma_start3A_67 = arith.constant 0 : i32
    %dma_start3A_68 = arith.constant 0 : i32
    %dma_start3A_69 = tpu.memref_slice %arg19[%dma_start3A_60, %dma_start3A_67, %dma_start3A_68] : memref<5x80x128xf32, #tpu.memory_space<vmem>> -> memref<1x80x128xf32, #tpu.memory_space<vmem>>
    %dma_start3A_70 = tpu.memref_squeeze %dma_start3A_69 : memref<1x80x128xf32, #tpu.memory_space<vmem>> -> memref<80x128xf32, #tpu.memory_space<vmem>>
    %dma_start3A_71 = arith.constant 0 : i32
    %dma_start3A_72 = tpu.memref_slice %arg6[%multiple_of3A_59, %dma_start3A_71] : memref<320000x128xf32, #tpu.memory_space<hbm>> -> memref<80x128xf32, #tpu.memory_space<hbm>>
    tpu.enqueue_dma source(%dma_start3A_72 : memref<80x128xf32, #tpu.memory_space<hbm>>) target(%dma_start3A_70 : memref<80x128xf32, #tpu.memory_space<vmem>>) target_semaphore(%arg24 : memref<!tpu.dma_semaphore, #tpu.memory_space<semaphore_mem>>)
    %add3A_73 = arith.constant 320 : i32
    %add3A_74 = arith.addi %mul3A_2, %add3A_73 : i32
    %multiple_of3A_75 = tpu.assume_multiple %add3A_74, 8 : i32
    %dma_start3A_76 = arith.constant 4 : i32
    %dma_start3A_77 = arith.constant 0 : i32
    %dma_start3A_78 = arith.constant 0 : i32
    %dma_start3A_79 = tpu.memref_slice %arg19[%dma_start3A_76, %dma_start3A_77, %dma_start3A_78] : memref<5x80x128xf32, #tpu.memory_space<vmem>> -> memref<1x80x128xf32, #tpu.memory_space<vmem>>
    %dma_start3A_80 = tpu.memref_squeeze %dma_start3A_79 : memref<1x80x128xf32, #tpu.memory_space<vmem>> -> memref<80x128xf32, #tpu.memory_space<vmem>>
    %dma_start3A_81 = arith.constant 0 : i32
    %dma_start3A_82 = tpu.memref_slice %arg6[%multiple_of3A_75, %dma_start3A_81] : memref<320000x128xf32, #tpu.memory_space<hbm>> -> memref<80x128xf32, #tpu.memory_space<hbm>>
    %dma_start3A_83 = arith.constant 0 : i32
    %dma_start3A_84 = arith.constant 0 : i32
    %dma_start3A_85 = tpu.memref_slice %arg19[%dma_start3A_76, %dma_start3A_83, %dma_start3A_84] : memref<5x80x128xf32, #tpu.memory_space<vmem>> -> memref<1x80x128xf32, #tpu.memory_space<vmem>>
    %dma_start3A_86 = tpu.memref_squeeze %dma_start3A_85 : memref<1x80x128xf32, #tpu.memory_space<vmem>> -> memref<80x128xf32, #tpu.memory_space<vmem>>
    %dma_start3A_87 = arith.constant 0 : i32
    %dma_start3A_88 = tpu.memref_slice %arg6[%multiple_of3A_75, %dma_start3A_87] : memref<320000x128xf32, #tpu.memory_space<hbm>> -> memref<80x128xf32, #tpu.memory_space<hbm>>
    tpu.enqueue_dma source(%dma_start3A_88 : memref<80x128xf32, #tpu.memory_space<hbm>>) target(%dma_start3A_86 : memref<80x128xf32, #tpu.memory_space<vmem>>) target_semaphore(%arg25 : memref<!tpu.dma_semaphore, #tpu.memory_space<semaphore_mem>>)
    tpu.wait_dma2 semaphore(%arg20 : memref<!tpu.dma_semaphore, #tpu.memory_space<semaphore_mem>>) src(%arg7 : memref<10000xi32, #tpu.memory_space<hbm>>) dst(%arg13 : memref<10000xi32, #tpu.memory_space<vmem>>)
    %dma_wait3A = tpu.memref_slice %arg2[%mul3A_2] : memref<320000xi32, #tpu.memory_space<hbm>> -> memref<10000xi32, #tpu.memory_space<hbm>>
    %dma_wait3A_89 = tpu.memref_slice %arg2[%mul3A_2] : memref<320000xi32, #tpu.memory_space<hbm>> -> memref<10000xi32, #tpu.memory_space<hbm>>
    tpu.wait_dma2 semaphore(%arg20 : memref<!tpu.dma_semaphore, #tpu.memory_space<semaphore_mem>>) src(%dma_wait3A_89 : memref<10000xi32, #tpu.memory_space<hbm>>) dst(%arg14 : memref<10000xi32, #tpu.memory_space<vmem>>)
    %dma_wait3A_90 = tpu.memref_slice %arg3[%mul3A_2] : memref<320000xi32, #tpu.memory_space<hbm>> -> memref<10000xi32, #tpu.memory_space<hbm>>
    %dma_wait3A_91 = tpu.memref_slice %arg3[%mul3A_2] : memref<320000xi32, #tpu.memory_space<hbm>> -> memref<10000xi32, #tpu.memory_space<hbm>>
    tpu.wait_dma2 semaphore(%arg20 : memref<!tpu.dma_semaphore, #tpu.memory_space<semaphore_mem>>) src(%dma_wait3A_91 : memref<10000xi32, #tpu.memory_space<hbm>>) dst(%arg15 : memref<10000xi32, #tpu.memory_space<vmem>>)
    %dma_wait3A_92 = tpu.memref_slice %arg4[%mul3A_2] : memref<320000xf32, #tpu.memory_space<hbm>> -> memref<10000xf32, #tpu.memory_space<hbm>>
    %dma_wait3A_93 = tpu.memref_slice %arg4[%mul3A_2] : memref<320000xf32, #tpu.memory_space<hbm>> -> memref<10000xf32, #tpu.memory_space<hbm>>
    tpu.wait_dma2 semaphore(%arg20 : memref<!tpu.dma_semaphore, #tpu.memory_space<semaphore_mem>>) src(%dma_wait3A_93 : memref<10000xf32, #tpu.memory_space<hbm>>) dst(%arg16 : memref<10000xf32, #tpu.memory_space<vmem>>)
    %dma_wait3A_94 = tpu.memref_slice %arg5[%mul3A_2] : memref<320000xf32, #tpu.memory_space<hbm>> -> memref<10000xf32, #tpu.memory_space<hbm>>
    %dma_wait3A_95 = tpu.memref_slice %arg5[%mul3A_2] : memref<320000xf32, #tpu.memory_space<hbm>> -> memref<10000xf32, #tpu.memory_space<hbm>>
    tpu.wait_dma2 semaphore(%arg20 : memref<!tpu.dma_semaphore, #tpu.memory_space<semaphore_mem>>) src(%dma_wait3A_95 : memref<10000xf32, #tpu.memory_space<hbm>>) dst(%arg17 : memref<10000xf32, #tpu.memory_space<vmem>>)
    %scan3A = arith.constant 0 : i32
    %scan3A_96 = arith.constant 0 : i32
    %scan3A_97 = arith.constant 625 : i32
    %scan3A_98 = arith.addi %scan3A_96, %scan3A_97 : i32
    %scan3A_99 = arith.constant 1 : i32
    scf.for %scan3A_203 = %scan3A_96 to %scan3A_98 step %scan3A_99  : i32 {
      %mul3A_204 = arith.constant 16 : i32
      %mul3A_205 = arith.muli %scan3A_203, %mul3A_204 : i32
      %multiple_of3A_206 = tpu.assume_multiple %mul3A_205, 16 : i32
      %get3A = arith.index_cast %multiple_of3A_206 : i32 to index
      %get3A_207 = tpu.vector_load %arg14[%get3A] {strides = array<i32>} : memref<10000xi32, #tpu.memory_space<vmem>>, vector<16xi32>,
      %gather3A = tpu.vector_load_idx %arg13[%get3A_207] : memref<10000xi32, #tpu.memory_space<vmem>>[vector<16xi32>], vector<16xi32>,
      %get3A_208 = arith.index_cast %multiple_of3A_206 : i32 to index
      %get3A_209 = tpu.vector_load %arg15[%get3A_208] {strides = array<i32>} : memref<10000xi32, #tpu.memory_space<vmem>>, vector<16xi32>,
      %gather3A_210 = tpu.vector_load_idx %arg13[%get3A_209] : memref<10000xi32, #tpu.memory_space<vmem>>[vector<16xi32>], vector<16xi32>,
      %and3A = arith.andi %gather3A, %gather3A_210 : vector<16xi32>
      %convert_element_type3A = arith.sitofp %and3A : vector<16xi32> to vector<16xf32>
      %swap3A = arith.index_cast %multiple_of3A_206 : i32 to index
      %swap3A_211 = tpu.vector_load %arg18[%swap3A] {strides = array<i32>} : memref<10000xf32, #tpu.memory_space<vmem>>, vector<16xf32>,
      tpu.vector_store %arg18[%swap3A], %convert_element_type3A {strides = array<i32>} : memref<10000xf32, #tpu.memory_space<vmem>>, vector<16xf32>,
      %get3A_212 = arith.index_cast %multiple_of3A_206 : i32 to index
      %get3A_213 = tpu.vector_load %arg14[%get3A_212] {strides = array<i32>} : memref<10000xi32, #tpu.memory_space<vmem>>, vector<16xi32>,
      %mul3A_214 = arith.muli %get3A_213, %and3A : vector<16xi32>
      %swap3A_215 = arith.index_cast %multiple_of3A_206 : i32 to index
      %swap3A_216 = tpu.vector_load %arg14[%swap3A_215] {strides = array<i32>} : memref<10000xi32, #tpu.memory_space<vmem>>, vector<16xi32>,
      tpu.vector_store %arg14[%swap3A_215], %mul3A_214 {strides = array<i32>} : memref<10000xi32, #tpu.memory_space<vmem>>, vector<16xi32>,
      %get3A_217 = arith.index_cast %multiple_of3A_206 : i32 to index
      %get3A_218 = tpu.vector_load %arg15[%get3A_217] {strides = array<i32>} : memref<10000xi32, #tpu.memory_space<vmem>>, vector<16xi32>,
      %mul3A_219 = arith.muli %get3A_218, %and3A : vector<16xi32>
      %swap3A_220 = arith.index_cast %multiple_of3A_206 : i32 to index
      %swap3A_221 = tpu.vector_load %arg15[%swap3A_220] {strides = array<i32>} : memref<10000xi32, #tpu.memory_space<vmem>>, vector<16xi32>,
      tpu.vector_store %arg15[%swap3A_220], %mul3A_219 {strides = array<i32>} : memref<10000xi32, #tpu.memory_space<vmem>>, vector<16xi32>,
      %get3A_222 = arith.index_cast %multiple_of3A_206 : i32 to index
      %get3A_223 = tpu.vector_load %arg16[%get3A_222] {strides = array<i32>} : memref<10000xf32, #tpu.memory_space<vmem>>, vector<16xf32>,
      %mul3A_224 = arith.mulf %get3A_223, %convert_element_type3A : vector<16xf32>
      %swap3A_225 = arith.index_cast %multiple_of3A_206 : i32 to index
      %swap3A_226 = tpu.vector_load %arg16[%swap3A_225] {strides = array<i32>} : memref<10000xf32, #tpu.memory_space<vmem>>, vector<16xf32>,
      tpu.vector_store %arg16[%swap3A_225], %mul3A_224 {strides = array<i32>} : memref<10000xf32, #tpu.memory_space<vmem>>, vector<16xf32>,
      %get3A_227 = arith.index_cast %multiple_of3A_206 : i32 to index
      %get3A_228 = tpu.vector_load %arg17[%get3A_227] {strides = array<i32>} : memref<10000xf32, #tpu.memory_space<vmem>>, vector<16xf32>,
      %mul3A_229 = arith.mulf %get3A_228, %convert_element_type3A : vector<16xf32>
      %swap3A_230 = arith.index_cast %multiple_of3A_206 : i32 to index
      %swap3A_231 = tpu.vector_load %arg17[%swap3A_230] {strides = array<i32>} : memref<10000xf32, #tpu.memory_space<vmem>>, vector<16xf32>,
      tpu.vector_store %arg17[%swap3A_230], %mul3A_229 {strides = array<i32>} : memref<10000xf32, #tpu.memory_space<vmem>>, vector<16xf32>,
    }
    %scan3A_100 = arith.constant 625 : i32
    %dma_start3A_101 = tpu.memref_slice %arg9[%mul3A_2] : memref<320000xi32, #tpu.memory_space<hbm>> -> memref<10000xi32, #tpu.memory_space<hbm>>
    %dma_start3A_102 = tpu.memref_slice %arg9[%mul3A_2] : memref<320000xi32, #tpu.memory_space<hbm>> -> memref<10000xi32, #tpu.memory_space<hbm>>
    tpu.enqueue_dma source(%arg14 : memref<10000xi32, #tpu.memory_space<vmem>>) target(%dma_start3A_102 : memref<10000xi32, #tpu.memory_space<hbm>>) target_semaphore(%arg20 : memref<!tpu.dma_semaphore, #tpu.memory_space<semaphore_mem>>)
    %dma_start3A_103 = tpu.memref_slice %arg10[%mul3A_2] : memref<320000xi32, #tpu.memory_space<hbm>> -> memref<10000xi32, #tpu.memory_space<hbm>>
    %dma_start3A_104 = tpu.memref_slice %arg10[%mul3A_2] : memref<320000xi32, #tpu.memory_space<hbm>> -> memref<10000xi32, #tpu.memory_space<hbm>>
    tpu.enqueue_dma source(%arg15 : memref<10000xi32, #tpu.memory_space<vmem>>) target(%dma_start3A_104 : memref<10000xi32, #tpu.memory_space<hbm>>) target_semaphore(%arg20 : memref<!tpu.dma_semaphore, #tpu.memory_space<semaphore_mem>>)
    %dma_start3A_105 = tpu.memref_slice %arg11[%mul3A_2] : memref<320000xf32, #tpu.memory_space<hbm>> -> memref<10000xf32, #tpu.memory_space<hbm>>
    %dma_start3A_106 = tpu.memref_slice %arg11[%mul3A_2] : memref<320000xf32, #tpu.memory_space<hbm>> -> memref<10000xf32, #tpu.memory_space<hbm>>
    tpu.enqueue_dma source(%arg16 : memref<10000xf32, #tpu.memory_space<vmem>>) target(%dma_start3A_106 : memref<10000xf32, #tpu.memory_space<hbm>>) target_semaphore(%arg20 : memref<!tpu.dma_semaphore, #tpu.memory_space<semaphore_mem>>)
    %dma_start3A_107 = tpu.memref_slice %arg12[%mul3A_2] : memref<320000xf32, #tpu.memory_space<hbm>> -> memref<10000xf32, #tpu.memory_space<hbm>>
    %dma_start3A_108 = tpu.memref_slice %arg12[%mul3A_2] : memref<320000xf32, #tpu.memory_space<hbm>> -> memref<10000xf32, #tpu.memory_space<hbm>>
    tpu.enqueue_dma source(%arg17 : memref<10000xf32, #tpu.memory_space<vmem>>) target(%dma_start3A_108 : memref<10000xf32, #tpu.memory_space<hbm>>) target_semaphore(%arg20 : memref<!tpu.dma_semaphore, #tpu.memory_space<semaphore_mem>>)
    %scan3A_109 = arith.constant 0 : i32
    %scan3A_110 = arith.constant 0 : i32
    %scan3A_111 = arith.constant 25 : i32
    %scan3A_112 = arith.addi %scan3A_110, %scan3A_111 : i32
    %scan3A_113 = arith.constant 1 : i32
    scf.for %scan3A_203 = %scan3A_110 to %scan3A_112 step %scan3A_113  : i32 {
      %mul3A_204 = arith.constant 5 : i32
      %mul3A_205 = arith.muli %scan3A_203, %mul3A_204 : i32
      %add3A_206 = arith.constant 0 : i32
      %add3A_207 = arith.addi %mul3A_205, %add3A_206 : i32
      %mul3A_208 = arith.constant 80 : i32
      %mul3A_209 = arith.muli %add3A_207, %mul3A_208 : i32
      %add3A_210 = arith.addi %mul3A_2, %mul3A_209 : i32
      %multiple_of3A_211 = tpu.assume_multiple %add3A_210, 8 : i32
      %dma_wait3A_212 = arith.constant 0 : i32
      %dma_wait3A_213 = arith.constant 0 : i32
      %dma_wait3A_214 = arith.constant 0 : i32
      %dma_wait3A_215 = tpu.memref_slice %arg19[%dma_wait3A_212, %dma_wait3A_213, %dma_wait3A_214] : memref<5x80x128xf32, #tpu.memory_space<vmem>> -> memref<1x80x128xf32, #tpu.memory_space<vmem>>
      %dma_wait3A_216 = tpu.memref_squeeze %dma_wait3A_215 : memref<1x80x128xf32, #tpu.memory_space<vmem>> -> memref<80x128xf32, #tpu.memory_space<vmem>>
      %dma_wait3A_217 = arith.constant 0 : i32
      %dma_wait3A_218 = tpu.memref_slice %arg6[%multiple_of3A_211, %dma_wait3A_217] : memref<320000x128xf32, #tpu.memory_space<hbm>> -> memref<80x128xf32, #tpu.memory_space<hbm>>
      %dma_wait3A_219 = arith.constant 0 : i32
      %dma_wait3A_220 = arith.constant 0 : i32
      %dma_wait3A_221 = tpu.memref_slice %arg19[%dma_wait3A_212, %dma_wait3A_219, %dma_wait3A_220] : memref<5x80x128xf32, #tpu.memory_space<vmem>> -> memref<1x80x128xf32, #tpu.memory_space<vmem>>
      %dma_wait3A_222 = tpu.memref_squeeze %dma_wait3A_221 : memref<1x80x128xf32, #tpu.memory_space<vmem>> -> memref<80x128xf32, #tpu.memory_space<vmem>>
      %dma_wait3A_223 = arith.constant 0 : i32
      %dma_wait3A_224 = tpu.memref_slice %arg6[%multiple_of3A_211, %dma_wait3A_223] : memref<320000x128xf32, #tpu.memory_space<hbm>> -> memref<80x128xf32, #tpu.memory_space<hbm>>
      tpu.wait_dma2 semaphore(%arg21 : memref<!tpu.dma_semaphore, #tpu.memory_space<semaphore_mem>>) src(%dma_wait3A_224 : memref<80x128xf32, #tpu.memory_space<hbm>>) dst(%dma_wait3A_222 : memref<80x128xf32, #tpu.memory_space<vmem>>)
      %mul3A_225 = arith.constant 80 : i32
      %mul3A_226 = arith.muli %add3A_207, %mul3A_225 : i32
      %broadcast_in_dim3A = vector.broadcast %mul3A_226 : i32 to vector<16xi32>
      %scan3A_227 = arith.constant 0 : i32
      %scan3A_228 = arith.constant 0 : i32
      %scan3A_229 = arith.constant 80 : i32
      %scan3A_230 = arith.addi %scan3A_228, %scan3A_229 : i32
      %scan3A_231 = arith.constant 1 : i32
      scf.for %scan3A_475 = %scan3A_228 to %scan3A_230 step %scan3A_231  : i32 {
        %add3A_476 = vector.broadcast %scan3A_475 : i32 to vector<16xi32>
        %add3A_477 = arith.addi %broadcast_in_dim3A, %add3A_476 : vector<16xi32>
        %gather3A = tpu.vector_load_idx %arg18[%add3A_477] : memref<10000xf32, #tpu.memory_space<vmem>>[vector<16xi32>], vector<16xf32>,
        %get3A = arith.constant 0 : i32
        %get3A_478 = arith.index_cast %get3A : i32 to index
        %get3A_479 = arith.index_cast %scan3A_475 : i32 to index
        %get3A_480 = arith.constant 0 : index
        %get3A_481 = tpu.vector_load %arg19[%get3A_478, %get3A_479, %get3A_480] {strides = array<i32>} : memref<5x80x128xf32, #tpu.memory_space<vmem>>, vector<16xf32>,
        %mul3A_482 = arith.mulf %get3A_481, %gather3A : vector<16xf32>
        %swap3A = arith.constant 0 : i32
        %swap3A_483 = arith.index_cast %swap3A : i32 to index
        %swap3A_484 = arith.index_cast %scan3A_475 : i32 to index
        %swap3A_485 = arith.constant 0 : index
        %swap3A_486 = tpu.vector_load %arg19[%swap3A_483, %swap3A_484, %swap3A_485] {strides = array<i32>} : memref<5x80x128xf32, #tpu.memory_space<vmem>>, vector<16xf32>,
        tpu.vector_store %arg19[%swap3A_483, %swap3A_484, %swap3A_485], %mul3A_482 {strides = array<i32>} : memref<5x80x128xf32, #tpu.memory_space<vmem>>, vector<16xf32>,
        %get3A_487 = arith.constant 0 : i32
        %get3A_488 = arith.index_cast %get3A_487 : i32 to index
        %get3A_489 = arith.index_cast %scan3A_475 : i32 to index
        %get3A_490 = arith.constant 16 : index
        %get3A_491 = tpu.vector_load %arg19[%get3A_488, %get3A_489, %get3A_490] {strides = array<i32>} : memref<5x80x128xf32, #tpu.memory_space<vmem>>, vector<16xf32>,
        %mul3A_492 = arith.mulf %get3A_491, %gather3A : vector<16xf32>
        %swap3A_493 = arith.constant 0 : i32
        %swap3A_494 = arith.index_cast %swap3A_493 : i32 to index
        %swap3A_495 = arith.index_cast %scan3A_475 : i32 to index
        %swap3A_496 = arith.constant 16 : index
        %swap3A_497 = tpu.vector_load %arg19[%swap3A_494, %swap3A_495, %swap3A_496] {strides = array<i32>} : memref<5x80x128xf32, #tpu.memory_space<vmem>>, vector<16xf32>,
        tpu.vector_store %arg19[%swap3A_494, %swap3A_495, %swap3A_496], %mul3A_492 {strides = array<i32>} : memref<5x80x128xf32, #tpu.memory_space<vmem>>, vector<16xf32>,
        %get3A_498 = arith.constant 0 : i32
        %get3A_499 = arith.index_cast %get3A_498 : i32 to index
        %get3A_500 = arith.index_cast %scan3A_475 : i32 to index
        %get3A_501 = arith.constant 32 : index
        %get3A_502 = tpu.vector_load %arg19[%get3A_499, %get3A_500, %get3A_501] {strides = array<i32>} : memref<5x80x128xf32, #tpu.memory_space<vmem>>, vector<16xf32>,
        %mul3A_503 = arith.mulf %get3A_502, %gather3A : vector<16xf32>
        %swap3A_504 = arith.constant 0 : i32
        %swap3A_505 = arith.index_cast %swap3A_504 : i32 to index
        %swap3A_506 = arith.index_cast %scan3A_475 : i32 to index
        %swap3A_507 = arith.constant 32 : index
        %swap3A_508 = tpu.vector_load %arg19[%swap3A_505, %swap3A_506, %swap3A_507] {strides = array<i32>} : memref<5x80x128xf32, #tpu.memory_space<vmem>>, vector<16xf32>,
        tpu.vector_store %arg19[%swap3A_505, %swap3A_506, %swap3A_507], %mul3A_503 {strides = array<i32>} : memref<5x80x128xf32, #tpu.memory_space<vmem>>, vector<16xf32>,
        %get3A_509 = arith.constant 0 : i32
        %get3A_510 = arith.index_cast %get3A_509 : i32 to index
        %get3A_511 = arith.index_cast %scan3A_475 : i32 to index
        %get3A_512 = arith.constant 48 : index
        %get3A_513 = tpu.vector_load %arg19[%get3A_510, %get3A_511, %get3A_512] {strides = array<i32>} : memref<5x80x128xf32, #tpu.memory_space<vmem>>, vector<16xf32>,
        %mul3A_514 = arith.mulf %get3A_513, %gather3A : vector<16xf32>
        %swap3A_515 = arith.constant 0 : i32
        %swap3A_516 = arith.index_cast %swap3A_515 : i32 to index
        %swap3A_517 = arith.index_cast %scan3A_475 : i32 to index
        %swap3A_518 = arith.constant 48 : index
        %swap3A_519 = tpu.vector_load %arg19[%swap3A_516, %swap3A_517, %swap3A_518] {strides = array<i32>} : memref<5x80x128xf32, #tpu.memory_space<vmem>>, vector<16xf32>,
        tpu.vector_store %arg19[%swap3A_516, %swap3A_517, %swap3A_518], %mul3A_514 {strides = array<i32>} : memref<5x80x128xf32, #tpu.memory_space<vmem>>, vector<16xf32>,
        %get3A_520 = arith.constant 0 : i32
        %get3A_521 = arith.index_cast %get3A_520 : i32 to index
        %get3A_522 = arith.index_cast %scan3A_475 : i32 to index
        %get3A_523 = arith.constant 64 : index
        %get3A_524 = tpu.vector_load %arg19[%get3A_521, %get3A_522, %get3A_523] {strides = array<i32>} : memref<5x80x128xf32, #tpu.memory_space<vmem>>, vector<16xf32>,
        %mul3A_525 = arith.mulf %get3A_524, %gather3A : vector<16xf32>
        %swap3A_526 = arith.constant 0 : i32
        %swap3A_527 = arith.index_cast %swap3A_526 : i32 to index
        %swap3A_528 = arith.index_cast %scan3A_475 : i32 to index
        %swap3A_529 = arith.constant 64 : index
        %swap3A_530 = tpu.vector_load %arg19[%swap3A_527, %swap3A_528, %swap3A_529] {strides = array<i32>} : memref<5x80x128xf32, #tpu.memory_space<vmem>>, vector<16xf32>,
        tpu.vector_store %arg19[%swap3A_527, %swap3A_528, %swap3A_529], %mul3A_525 {strides = array<i32>} : memref<5x80x128xf32, #tpu.memory_space<vmem>>, vector<16xf32>,
        %get3A_531 = arith.constant 0 : i32
        %get3A_532 = arith.index_cast %get3A_531 : i32 to index
        %get3A_533 = arith.index_cast %scan3A_475 : i32 to index
        %get3A_534 = arith.constant 80 : index
        %get3A_535 = tpu.vector_load %arg19[%get3A_532, %get3A_533, %get3A_534] {strides = array<i32>} : memref<5x80x128xf32, #tpu.memory_space<vmem>>, vector<16xf32>,
        %mul3A_536 = arith.mulf %get3A_535, %gather3A : vector<16xf32>
        %swap3A_537 = arith.constant 0 : i32
        %swap3A_538 = arith.index_cast %swap3A_537 : i32 to index
        %swap3A_539 = arith.index_cast %scan3A_475 : i32 to index
        %swap3A_540 = arith.constant 80 : index
        %swap3A_541 = tpu.vector_load %arg19[%swap3A_538, %swap3A_539, %swap3A_540] {strides = array<i32>} : memref<5x80x128xf32, #tpu.memory_space<vmem>>, vector<16xf32>,
        tpu.vector_store %arg19[%swap3A_538, %swap3A_539, %swap3A_540], %mul3A_536 {strides = array<i32>} : memref<5x80x128xf32, #tpu.memory_space<vmem>>, vector<16xf32>,
        %get3A_542 = arith.constant 0 : i32
        %get3A_543 = arith.index_cast %get3A_542 : i32 to index
        %get3A_544 = arith.index_cast %scan3A_475 : i32 to index
        %get3A_545 = arith.constant 96 : index
        %get3A_546 = tpu.vector_load %arg19[%get3A_543, %get3A_544, %get3A_545] {strides = array<i32>} : memref<5x80x128xf32, #tpu.memory_space<vmem>>, vector<16xf32>,
        %mul3A_547 = arith.mulf %get3A_546, %gather3A : vector<16xf32>
        %swap3A_548 = arith.constant 0 : i32
        %swap3A_549 = arith.index_cast %swap3A_548 : i32 to index
        %swap3A_550 = arith.index_cast %scan3A_475 : i32 to index
        %swap3A_551 = arith.constant 96 : index
        %swap3A_552 = tpu.vector_load %arg19[%swap3A_549, %swap3A_550, %swap3A_551] {strides = array<i32>} : memref<5x80x128xf32, #tpu.memory_space<vmem>>, vector<16xf32>,
        tpu.vector_store %arg19[%swap3A_549, %swap3A_550, %swap3A_551], %mul3A_547 {strides = array<i32>} : memref<5x80x128xf32, #tpu.memory_space<vmem>>, vector<16xf32>,
        %get3A_553 = arith.constant 0 : i32
        %get3A_554 = arith.index_cast %get3A_553 : i32 to index
        %get3A_555 = arith.index_cast %scan3A_475 : i32 to index
        %get3A_556 = arith.constant 112 : index
        %get3A_557 = tpu.vector_load %arg19[%get3A_554, %get3A_555, %get3A_556] {strides = array<i32>} : memref<5x80x128xf32, #tpu.memory_space<vmem>>, vector<16xf32>,
        %mul3A_558 = arith.mulf %get3A_557, %gather3A : vector<16xf32>
        %swap3A_559 = arith.constant 0 : i32
        %swap3A_560 = arith.index_cast %swap3A_559 : i32 to index
        %swap3A_561 = arith.index_cast %scan3A_475 : i32 to index
        %swap3A_562 = arith.constant 112 : index
        %swap3A_563 = tpu.vector_load %arg19[%swap3A_560, %swap3A_561, %swap3A_562] {strides = array<i32>} : memref<5x80x128xf32, #tpu.memory_space<vmem>>, vector<16xf32>,
        tpu.vector_store %arg19[%swap3A_560, %swap3A_561, %swap3A_562], %mul3A_558 {strides = array<i32>} : memref<5x80x128xf32, #tpu.memory_space<vmem>>, vector<16xf32>,
      }
      %scan3A_232 = arith.constant 80 : i32
      %mul3A_233 = arith.constant 80 : i32
      %mul3A_234 = arith.muli %add3A_207, %mul3A_233 : i32
      %add3A_235 = arith.addi %mul3A_2, %mul3A_234 : i32
      %multiple_of3A_236 = tpu.assume_multiple %add3A_235, 8 : i32
      %dma_start3A_237 = arith.constant 0 : i32
      %dma_start3A_238 = arith.constant 0 : i32
      %dma_start3A_239 = arith.constant 0 : i32
      %dma_start3A_240 = tpu.memref_slice %arg19[%dma_start3A_237, %dma_start3A_238, %dma_start3A_239] : memref<5x80x128xf32, #tpu.memory_space<vmem>> -> memref<1x80x128xf32, #tpu.memory_space<vmem>>
      %dma_start3A_241 = tpu.memref_squeeze %dma_start3A_240 : memref<1x80x128xf32, #tpu.memory_space<vmem>> -> memref<80x128xf32, #tpu.memory_space<vmem>>
      %dma_start3A_242 = arith.constant 0 : i32
      %dma_start3A_243 = tpu.memref_slice %arg8[%multiple_of3A_236, %dma_start3A_242] : memref<320000x128xf32, #tpu.memory_space<hbm>> -> memref<80x128xf32, #tpu.memory_space<hbm>>
      %dma_start3A_244 = arith.constant 0 : i32
      %dma_start3A_245 = tpu.memref_slice %arg8[%multiple_of3A_236, %dma_start3A_244] : memref<320000x128xf32, #tpu.memory_space<hbm>> -> memref<80x128xf32, #tpu.memory_space<hbm>>
      %dma_start3A_246 = arith.constant 0 : i32
      %dma_start3A_247 = arith.constant 0 : i32
      %dma_start3A_248 = tpu.memref_slice %arg19[%dma_start3A_237, %dma_start3A_246, %dma_start3A_247] : memref<5x80x128xf32, #tpu.memory_space<vmem>> -> memref<1x80x128xf32, #tpu.memory_space<vmem>>
      %dma_start3A_249 = tpu.memref_squeeze %dma_start3A_248 : memref<1x80x128xf32, #tpu.memory_space<vmem>> -> memref<80x128xf32, #tpu.memory_space<vmem>>
      tpu.enqueue_dma source(%dma_start3A_249 : memref<80x128xf32, #tpu.memory_space<vmem>>) target(%dma_start3A_245 : memref<80x128xf32, #tpu.memory_space<hbm>>) target_semaphore(%arg26 : memref<!tpu.dma_semaphore, #tpu.memory_space<semaphore_mem>>)
      %add3A_250 = arith.constant 2 : i32
      %add3A_251 = arith.addi %add3A_207, %add3A_250 : i32
      %ge3A = arith.constant 5 : i32
      %ge3A_252 = arith.cmpi sge, %add3A_251, %ge3A : i32
      %lt3A = arith.constant 125 : i32
      %lt3A_253 = arith.cmpi slt, %add3A_251, %lt3A : i32
      %and3A = arith.andi %ge3A_252, %lt3A_253 : i1
      %convert_element_type3A = arith.extui %and3A : i1 to i32
      %cond3A = arith.constant 0 : i32
      %cond3A_254 = arith.cmpi ne, %convert_element_type3A, %cond3A : i32
      scf.if %cond3A_254 {
        %sub3A = arith.constant 5 : i32
        %sub3A_475 = arith.subi %add3A_251, %sub3A : i32
        %mul3A_476 = arith.constant 80 : i32
        %mul3A_477 = arith.muli %sub3A_475, %mul3A_476 : i32
        %add3A_478 = arith.addi %mul3A_2, %mul3A_477 : i32
        %multiple_of3A_479 = tpu.assume_multiple %add3A_478, 8 : i32
        %dma_wait3A_480 = arith.constant 2 : i32
        %dma_wait3A_481 = arith.constant 0 : i32
        %dma_wait3A_482 = arith.constant 0 : i32
        %dma_wait3A_483 = tpu.memref_slice %arg19[%dma_wait3A_480, %dma_wait3A_481, %dma_wait3A_482] : memref<5x80x128xf32, #tpu.memory_space<vmem>> -> memref<1x80x128xf32, #tpu.memory_space<vmem>>
        %dma_wait3A_484 = tpu.memref_squeeze %dma_wait3A_483 : memref<1x80x128xf32, #tpu.memory_space<vmem>> -> memref<80x128xf32, #tpu.memory_space<vmem>>
        %dma_wait3A_485 = arith.constant 0 : i32
        %dma_wait3A_486 = tpu.memref_slice %arg8[%multiple_of3A_479, %dma_wait3A_485] : memref<320000x128xf32, #tpu.memory_space<hbm>> -> memref<80x128xf32, #tpu.memory_space<hbm>>
        %dma_wait3A_487 = arith.constant 0 : i32
        %dma_wait3A_488 = tpu.memref_slice %arg8[%multiple_of3A_479, %dma_wait3A_487] : memref<320000x128xf32, #tpu.memory_space<hbm>> -> memref<80x128xf32, #tpu.memory_space<hbm>>
        %dma_wait3A_489 = arith.constant 0 : i32
        %dma_wait3A_490 = arith.constant 0 : i32
        %dma_wait3A_491 = tpu.memref_slice %arg19[%dma_wait3A_480, %dma_wait3A_489, %dma_wait3A_490] : memref<5x80x128xf32, #tpu.memory_space<vmem>> -> memref<1x80x128xf32, #tpu.memory_space<vmem>>
        %dma_wait3A_492 = tpu.memref_squeeze %dma_wait3A_491 : memref<1x80x128xf32, #tpu.memory_space<vmem>> -> memref<80x128xf32, #tpu.memory_space<vmem>>
        tpu.wait_dma2 semaphore(%arg28 : memref<!tpu.dma_semaphore, #tpu.memory_space<semaphore_mem>>) src(%dma_wait3A_492 : memref<80x128xf32, #tpu.memory_space<vmem>>) dst(%dma_wait3A_488 : memref<80x128xf32, #tpu.memory_space<hbm>>)
        %mul3A_493 = arith.constant 80 : i32
        %mul3A_494 = arith.muli %add3A_251, %mul3A_493 : i32
        %add3A_495 = arith.addi %mul3A_2, %mul3A_494 : i32
        %multiple_of3A_496 = tpu.assume_multiple %add3A_495, 8 : i32
        %dma_start3A_497 = arith.constant 2 : i32
        %dma_start3A_498 = arith.constant 0 : i32
        %dma_start3A_499 = arith.constant 0 : i32
        %dma_start3A_500 = tpu.memref_slice %arg19[%dma_start3A_497, %dma_start3A_498, %dma_start3A_499] : memref<5x80x128xf32, #tpu.memory_space<vmem>> -> memref<1x80x128xf32, #tpu.memory_space<vmem>>
        %dma_start3A_501 = tpu.memref_squeeze %dma_start3A_500 : memref<1x80x128xf32, #tpu.memory_space<vmem>> -> memref<80x128xf32, #tpu.memory_space<vmem>>
        %dma_start3A_502 = arith.constant 0 : i32
        %dma_start3A_503 = tpu.memref_slice %arg6[%multiple_of3A_496, %dma_start3A_502] : memref<320000x128xf32, #tpu.memory_space<hbm>> -> memref<80x128xf32, #tpu.memory_space<hbm>>
        %dma_start3A_504 = arith.constant 0 : i32
        %dma_start3A_505 = arith.constant 0 : i32
        %dma_start3A_506 = tpu.memref_slice %arg19[%dma_start3A_497, %dma_start3A_504, %dma_start3A_505] : memref<5x80x128xf32, #tpu.memory_space<vmem>> -> memref<1x80x128xf32, #tpu.memory_space<vmem>>
        %dma_start3A_507 = tpu.memref_squeeze %dma_start3A_506 : memref<1x80x128xf32, #tpu.memory_space<vmem>> -> memref<80x128xf32, #tpu.memory_space<vmem>>
        %dma_start3A_508 = arith.constant 0 : i32
        %dma_start3A_509 = tpu.memref_slice %arg6[%multiple_of3A_496, %dma_start3A_508] : memref<320000x128xf32, #tpu.memory_space<hbm>> -> memref<80x128xf32, #tpu.memory_space<hbm>>
        tpu.enqueue_dma source(%dma_start3A_509 : memref<80x128xf32, #tpu.memory_space<hbm>>) target(%dma_start3A_507 : memref<80x128xf32, #tpu.memory_space<vmem>>) target_semaphore(%arg23 : memref<!tpu.dma_semaphore, #tpu.memory_space<semaphore_mem>>)
      } else {
      }
      %add3A_255 = arith.constant 1 : i32
      %add3A_256 = arith.addi %mul3A_205, %add3A_255 : i32
      %mul3A_257 = arith.constant 80 : i32
      %mul3A_258 = arith.muli %add3A_256, %mul3A_257 : i32
      %add3A_259 = arith.addi %mul3A_2, %mul3A_258 : i32
      %multiple_of3A_260 = tpu.assume_multiple %add3A_259, 8 : i32
      %dma_wait3A_261 = arith.constant 1 : i32
      %dma_wait3A_262 = arith.constant 0 : i32
      %dma_wait3A_263 = arith.constant 0 : i32
      %dma_wait3A_264 = tpu.memref_slice %arg19[%dma_wait3A_261, %dma_wait3A_262, %dma_wait3A_263] : memref<5x80x128xf32, #tpu.memory_space<vmem>> -> memref<1x80x128xf32, #tpu.memory_space<vmem>>
      %dma_wait3A_265 = tpu.memref_squeeze %dma_wait3A_264 : memref<1x80x128xf32, #tpu.memory_space<vmem>> -> memref<80x128xf32, #tpu.memory_space<vmem>>
      %dma_wait3A_266 = arith.constant 0 : i32
      %dma_wait3A_267 = tpu.memref_slice %arg6[%multiple_of3A_260, %dma_wait3A_266] : memref<320000x128xf32, #tpu.memory_space<hbm>> -> memref<80x128xf32, #tpu.memory_space<hbm>>
      %dma_wait3A_268 = arith.constant 0 : i32
      %dma_wait3A_269 = arith.constant 0 : i32
      %dma_wait3A_270 = tpu.memref_slice %arg19[%dma_wait3A_261, %dma_wait3A_268, %dma_wait3A_269] : memref<5x80x128xf32, #tpu.memory_space<vmem>> -> memref<1x80x128xf32, #tpu.memory_space<vmem>>
      %dma_wait3A_271 = tpu.memref_squeeze %dma_wait3A_270 : memref<1x80x128xf32, #tpu.memory_space<vmem>> -> memref<80x128xf32, #tpu.memory_space<vmem>>
      %dma_wait3A_272 = arith.constant 0 : i32
      %dma_wait3A_273 = tpu.memref_slice %arg6[%multiple_of3A_260, %dma_wait3A_272] : memref<320000x128xf32, #tpu.memory_space<hbm>> -> memref<80x128xf32, #tpu.memory_space<hbm>>
      tpu.wait_dma2 semaphore(%arg22 : memref<!tpu.dma_semaphore, #tpu.memory_space<semaphore_mem>>) src(%dma_wait3A_273 : memref<80x128xf32, #tpu.memory_space<hbm>>) dst(%dma_wait3A_271 : memref<80x128xf32, #tpu.memory_space<vmem>>)
      %mul3A_274 = arith.constant 80 : i32
      %mul3A_275 = arith.muli %add3A_256, %mul3A_274 : i32
      %broadcast_in_dim3A_276 = vector.broadcast %mul3A_275 : i32 to vector<16xi32>
      %scan3A_277 = arith.constant 0 : i32
      %scan3A_278 = arith.constant 0 : i32
      %scan3A_279 = arith.constant 80 : i32
      %scan3A_280 = arith.addi %scan3A_278, %scan3A_279 : i32
      %scan3A_281 = arith.constant 1 : i32
      scf.for %scan3A_475 = %scan3A_278 to %scan3A_280 step %scan3A_281  : i32 {
        %add3A_476 = vector.broadcast %scan3A_475 : i32 to vector<16xi32>
        %add3A_477 = arith.addi %broadcast_in_dim3A_276, %add3A_476 : vector<16xi32>
        %gather3A = tpu.vector_load_idx %arg18[%add3A_477] : memref<10000xf32, #tpu.memory_space<vmem>>[vector<16xi32>], vector<16xf32>,
        %get3A = arith.constant 1 : i32
        %get3A_478 = arith.index_cast %get3A : i32 to index
        %get3A_479 = arith.index_cast %scan3A_475 : i32 to index
        %get3A_480 = arith.constant 0 : index
        %get3A_481 = tpu.vector_load %arg19[%get3A_478, %get3A_479, %get3A_480] {strides = array<i32>} : memref<5x80x128xf32, #tpu.memory_space<vmem>>, vector<16xf32>,
        %mul3A_482 = arith.mulf %get3A_481, %gather3A : vector<16xf32>
        %swap3A = arith.constant 1 : i32
        %swap3A_483 = arith.index_cast %swap3A : i32 to index
        %swap3A_484 = arith.index_cast %scan3A_475 : i32 to index
        %swap3A_485 = arith.constant 0 : index
        %swap3A_486 = tpu.vector_load %arg19[%swap3A_483, %swap3A_484, %swap3A_485] {strides = array<i32>} : memref<5x80x128xf32, #tpu.memory_space<vmem>>, vector<16xf32>,
        tpu.vector_store %arg19[%swap3A_483, %swap3A_484, %swap3A_485], %mul3A_482 {strides = array<i32>} : memref<5x80x128xf32, #tpu.memory_space<vmem>>, vector<16xf32>,
        %get3A_487 = arith.constant 1 : i32
        %get3A_488 = arith.index_cast %get3A_487 : i32 to index
        %get3A_489 = arith.index_cast %scan3A_475 : i32 to index
        %get3A_490 = arith.constant 16 : index
        %get3A_491 = tpu.vector_load %arg19[%get3A_488, %get3A_489, %get3A_490] {strides = array<i32>} : memref<5x80x128xf32, #tpu.memory_space<vmem>>, vector<16xf32>,
        %mul3A_492 = arith.mulf %get3A_491, %gather3A : vector<16xf32>
        %swap3A_493 = arith.constant 1 : i32
        %swap3A_494 = arith.index_cast %swap3A_493 : i32 to index
        %swap3A_495 = arith.index_cast %scan3A_475 : i32 to index
        %swap3A_496 = arith.constant 16 : index
        %swap3A_497 = tpu.vector_load %arg19[%swap3A_494, %swap3A_495, %swap3A_496] {strides = array<i32>} : memref<5x80x128xf32, #tpu.memory_space<vmem>>, vector<16xf32>,
        tpu.vector_store %arg19[%swap3A_494, %swap3A_495, %swap3A_496], %mul3A_492 {strides = array<i32>} : memref<5x80x128xf32, #tpu.memory_space<vmem>>, vector<16xf32>,
        %get3A_498 = arith.constant 1 : i32
        %get3A_499 = arith.index_cast %get3A_498 : i32 to index
        %get3A_500 = arith.index_cast %scan3A_475 : i32 to index
        %get3A_501 = arith.constant 32 : index
        %get3A_502 = tpu.vector_load %arg19[%get3A_499, %get3A_500, %get3A_501] {strides = array<i32>} : memref<5x80x128xf32, #tpu.memory_space<vmem>>, vector<16xf32>,
        %mul3A_503 = arith.mulf %get3A_502, %gather3A : vector<16xf32>
        %swap3A_504 = arith.constant 1 : i32
        %swap3A_505 = arith.index_cast %swap3A_504 : i32 to index
        %swap3A_506 = arith.index_cast %scan3A_475 : i32 to index
        %swap3A_507 = arith.constant 32 : index
        %swap3A_508 = tpu.vector_load %arg19[%swap3A_505, %swap3A_506, %swap3A_507] {strides = array<i32>} : memref<5x80x128xf32, #tpu.memory_space<vmem>>, vector<16xf32>,
        tpu.vector_store %arg19[%swap3A_505, %swap3A_506, %swap3A_507], %mul3A_503 {strides = array<i32>} : memref<5x80x128xf32, #tpu.memory_space<vmem>>, vector<16xf32>,
        %get3A_509 = arith.constant 1 : i32
        %get3A_510 = arith.index_cast %get3A_509 : i32 to index
        %get3A_511 = arith.index_cast %scan3A_475 : i32 to index
        %get3A_512 = arith.constant 48 : index
        %get3A_513 = tpu.vector_load %arg19[%get3A_510, %get3A_511, %get3A_512] {strides = array<i32>} : memref<5x80x128xf32, #tpu.memory_space<vmem>>, vector<16xf32>,
        %mul3A_514 = arith.mulf %get3A_513, %gather3A : vector<16xf32>
        %swap3A_515 = arith.constant 1 : i32
        %swap3A_516 = arith.index_cast %swap3A_515 : i32 to index
        %swap3A_517 = arith.index_cast %scan3A_475 : i32 to index
        %swap3A_518 = arith.constant 48 : index
        %swap3A_519 = tpu.vector_load %arg19[%swap3A_516, %swap3A_517, %swap3A_518] {strides = array<i32>} : memref<5x80x128xf32, #tpu.memory_space<vmem>>, vector<16xf32>,
        tpu.vector_store %arg19[%swap3A_516, %swap3A_517, %swap3A_518], %mul3A_514 {strides = array<i32>} : memref<5x80x128xf32, #tpu.memory_space<vmem>>, vector<16xf32>,
        %get3A_520 = arith.constant 1 : i32
        %get3A_521 = arith.index_cast %get3A_520 : i32 to index
        %get3A_522 = arith.index_cast %scan3A_475 : i32 to index
        %get3A_523 = arith.constant 64 : index
        %get3A_524 = tpu.vector_load %arg19[%get3A_521, %get3A_522, %get3A_523] {strides = array<i32>} : memref<5x80x128xf32, #tpu.memory_space<vmem>>, vector<16xf32>,
        %mul3A_525 = arith.mulf %get3A_524, %gather3A : vector<16xf32>
        %swap3A_526 = arith.constant 1 : i32
        %swap3A_527 = arith.index_cast %swap3A_526 : i32 to index
        %swap3A_528 = arith.index_cast %scan3A_475 : i32 to index
        %swap3A_529 = arith.constant 64 : index
        %swap3A_530 = tpu.vector_load %arg19[%swap3A_527, %swap3A_528, %swap3A_529] {strides = array<i32>} : memref<5x80x128xf32, #tpu.memory_space<vmem>>, vector<16xf32>,
        tpu.vector_store %arg19[%swap3A_527, %swap3A_528, %swap3A_529], %mul3A_525 {strides = array<i32>} : memref<5x80x128xf32, #tpu.memory_space<vmem>>, vector<16xf32>,
        %get3A_531 = arith.constant 1 : i32
        %get3A_532 = arith.index_cast %get3A_531 : i32 to index
        %get3A_533 = arith.index_cast %scan3A_475 : i32 to index
        %get3A_534 = arith.constant 80 : index
        %get3A_535 = tpu.vector_load %arg19[%get3A_532, %get3A_533, %get3A_534] {strides = array<i32>} : memref<5x80x128xf32, #tpu.memory_space<vmem>>, vector<16xf32>,
        %mul3A_536 = arith.mulf %get3A_535, %gather3A : vector<16xf32>
        %swap3A_537 = arith.constant 1 : i32
        %swap3A_538 = arith.index_cast %swap3A_537 : i32 to index
        %swap3A_539 = arith.index_cast %scan3A_475 : i32 to index
        %swap3A_540 = arith.constant 80 : index
        %swap3A_541 = tpu.vector_load %arg19[%swap3A_538, %swap3A_539, %swap3A_540] {strides = array<i32>} : memref<5x80x128xf32, #tpu.memory_space<vmem>>, vector<16xf32>,
        tpu.vector_store %arg19[%swap3A_538, %swap3A_539, %swap3A_540], %mul3A_536 {strides = array<i32>} : memref<5x80x128xf32, #tpu.memory_space<vmem>>, vector<16xf32>,
        %get3A_542 = arith.constant 1 : i32
        %get3A_543 = arith.index_cast %get3A_542 : i32 to index
        %get3A_544 = arith.index_cast %scan3A_475 : i32 to index
        %get3A_545 = arith.constant 96 : index
        %get3A_546 = tpu.vector_load %arg19[%get3A_543, %get3A_544, %get3A_545] {strides = array<i32>} : memref<5x80x128xf32, #tpu.memory_space<vmem>>, vector<16xf32>,
        %mul3A_547 = arith.mulf %get3A_546, %gather3A : vector<16xf32>
        %swap3A_548 = arith.constant 1 : i32
        %swap3A_549 = arith.index_cast %swap3A_548 : i32 to index
        %swap3A_550 = arith.index_cast %scan3A_475 : i32 to index
        %swap3A_551 = arith.constant 96 : index
        %swap3A_552 = tpu.vector_load %arg19[%swap3A_549, %swap3A_550, %swap3A_551] {strides = array<i32>} : memref<5x80x128xf32, #tpu.memory_space<vmem>>, vector<16xf32>,
        tpu.vector_store %arg19[%swap3A_549, %swap3A_550, %swap3A_551], %mul3A_547 {strides = array<i32>} : memref<5x80x128xf32, #tpu.memory_space<vmem>>, vector<16xf32>,
        %get3A_553 = arith.constant 1 : i32
        %get3A_554 = arith.index_cast %get3A_553 : i32 to index
        %get3A_555 = arith.index_cast %scan3A_475 : i32 to index
        %get3A_556 = arith.constant 112 : index
        %get3A_557 = tpu.vector_load %arg19[%get3A_554, %get3A_555, %get3A_556] {strides = array<i32>} : memref<5x80x128xf32, #tpu.memory_space<vmem>>, vector<16xf32>,
        %mul3A_558 = arith.mulf %get3A_557, %gather3A : vector<16xf32>
        %swap3A_559 = arith.constant 1 : i32
        %swap3A_560 = arith.index_cast %swap3A_559 : i32 to index
        %swap3A_561 = arith.index_cast %scan3A_475 : i32 to index
        %swap3A_562 = arith.constant 112 : index
        %swap3A_563 = tpu.vector_load %arg19[%swap3A_560, %swap3A_561, %swap3A_562] {strides = array<i32>} : memref<5x80x128xf32, #tpu.memory_space<vmem>>, vector<16xf32>,
        tpu.vector_store %arg19[%swap3A_560, %swap3A_561, %swap3A_562], %mul3A_558 {strides = array<i32>} : memref<5x80x128xf32, #tpu.memory_space<vmem>>, vector<16xf32>,
      }
      %scan3A_282 = arith.constant 80 : i32
      %mul3A_283 = arith.constant 80 : i32
      %mul3A_284 = arith.muli %add3A_256, %mul3A_283 : i32
      %add3A_285 = arith.addi %mul3A_2, %mul3A_284 : i32
      %multiple_of3A_286 = tpu.assume_multiple %add3A_285, 8 : i32
      %dma_start3A_287 = arith.constant 1 : i32
      %dma_start3A_288 = arith.constant 0 : i32
      %dma_start3A_289 = arith.constant 0 : i32
      %dma_start3A_290 = tpu.memref_slice %arg19[%dma_start3A_287, %dma_start3A_288, %dma_start3A_289] : memref<5x80x128xf32, #tpu.memory_space<vmem>> -> memref<1x80x128xf32, #tpu.memory_space<vmem>>
      %dma_start3A_291 = tpu.memref_squeeze %dma_start3A_290 : memref<1x80x128xf32, #tpu.memory_space<vmem>> -> memref<80x128xf32, #tpu.memory_space<vmem>>
      %dma_start3A_292 = arith.constant 0 : i32
      %dma_start3A_293 = tpu.memref_slice %arg8[%multiple_of3A_286, %dma_start3A_292] : memref<320000x128xf32, #tpu.memory_space<hbm>> -> memref<80x128xf32, #tpu.memory_space<hbm>>
      %dma_start3A_294 = arith.constant 0 : i32
      %dma_start3A_295 = tpu.memref_slice %arg8[%multiple_of3A_286, %dma_start3A_294] : memref<320000x128xf32, #tpu.memory_space<hbm>> -> memref<80x128xf32, #tpu.memory_space<hbm>>
      %dma_start3A_296 = arith.constant 0 : i32
      %dma_start3A_297 = arith.constant 0 : i32
      %dma_start3A_298 = tpu.memref_slice %arg19[%dma_start3A_287, %dma_start3A_296, %dma_start3A_297] : memref<5x80x128xf32, #tpu.memory_space<vmem>> -> memref<1x80x128xf32, #tpu.memory_space<vmem>>
      %dma_start3A_299 = tpu.memref_squeeze %dma_start3A_298 : memref<1x80x128xf32, #tpu.memory_space<vmem>> -> memref<80x128xf32, #tpu.memory_space<vmem>>
      tpu.enqueue_dma source(%dma_start3A_299 : memref<80x128xf32, #tpu.memory_space<vmem>>) target(%dma_start3A_295 : memref<80x128xf32, #tpu.memory_space<hbm>>) target_semaphore(%arg27 : memref<!tpu.dma_semaphore, #tpu.memory_space<semaphore_mem>>)
      %add3A_300 = arith.constant 2 : i32
      %add3A_301 = arith.addi %add3A_256, %add3A_300 : i32
      %ge3A_302 = arith.constant 5 : i32
      %ge3A_303 = arith.cmpi sge, %add3A_301, %ge3A_302 : i32
      %lt3A_304 = arith.constant 125 : i32
      %lt3A_305 = arith.cmpi slt, %add3A_301, %lt3A_304 : i32
      %and3A_306 = arith.andi %ge3A_303, %lt3A_305 : i1
      %convert_element_type3A_307 = arith.extui %and3A_306 : i1 to i32
      %cond3A_308 = arith.constant 0 : i32
      %cond3A_309 = arith.cmpi ne, %convert_element_type3A_307, %cond3A_308 : i32
      scf.if %cond3A_309 {
        %sub3A = arith.constant 5 : i32
        %sub3A_475 = arith.subi %add3A_301, %sub3A : i32
        %mul3A_476 = arith.constant 80 : i32
        %mul3A_477 = arith.muli %sub3A_475, %mul3A_476 : i32
        %add3A_478 = arith.addi %mul3A_2, %mul3A_477 : i32
        %multiple_of3A_479 = tpu.assume_multiple %add3A_478, 8 : i32
        %dma_wait3A_480 = arith.constant 3 : i32
        %dma_wait3A_481 = arith.constant 0 : i32
        %dma_wait3A_482 = arith.constant 0 : i32
        %dma_wait3A_483 = tpu.memref_slice %arg19[%dma_wait3A_480, %dma_wait3A_481, %dma_wait3A_482] : memref<5x80x128xf32, #tpu.memory_space<vmem>> -> memref<1x80x128xf32, #tpu.memory_space<vmem>>
        %dma_wait3A_484 = tpu.memref_squeeze %dma_wait3A_483 : memref<1x80x128xf32, #tpu.memory_space<vmem>> -> memref<80x128xf32, #tpu.memory_space<vmem>>
        %dma_wait3A_485 = arith.constant 0 : i32
        %dma_wait3A_486 = tpu.memref_slice %arg8[%multiple_of3A_479, %dma_wait3A_485] : memref<320000x128xf32, #tpu.memory_space<hbm>> -> memref<80x128xf32, #tpu.memory_space<hbm>>
        %dma_wait3A_487 = arith.constant 0 : i32
        %dma_wait3A_488 = tpu.memref_slice %arg8[%multiple_of3A_479, %dma_wait3A_487] : memref<320000x128xf32, #tpu.memory_space<hbm>> -> memref<80x128xf32, #tpu.memory_space<hbm>>
        %dma_wait3A_489 = arith.constant 0 : i32
        %dma_wait3A_490 = arith.constant 0 : i32
        %dma_wait3A_491 = tpu.memref_slice %arg19[%dma_wait3A_480, %dma_wait3A_489, %dma_wait3A_490] : memref<5x80x128xf32, #tpu.memory_space<vmem>> -> memref<1x80x128xf32, #tpu.memory_space<vmem>>
        %dma_wait3A_492 = tpu.memref_squeeze %dma_wait3A_491 : memref<1x80x128xf32, #tpu.memory_space<vmem>> -> memref<80x128xf32, #tpu.memory_space<vmem>>
        tpu.wait_dma2 semaphore(%arg29 : memref<!tpu.dma_semaphore, #tpu.memory_space<semaphore_mem>>) src(%dma_wait3A_492 : memref<80x128xf32, #tpu.memory_space<vmem>>) dst(%dma_wait3A_488 : memref<80x128xf32, #tpu.memory_space<hbm>>)
        %mul3A_493 = arith.constant 80 : i32
        %mul3A_494 = arith.muli %add3A_301, %mul3A_493 : i32
        %add3A_495 = arith.addi %mul3A_2, %mul3A_494 : i32
        %multiple_of3A_496 = tpu.assume_multiple %add3A_495, 8 : i32
        %dma_start3A_497 = arith.constant 3 : i32
        %dma_start3A_498 = arith.constant 0 : i32
        %dma_start3A_499 = arith.constant 0 : i32
        %dma_start3A_500 = tpu.memref_slice %arg19[%dma_start3A_497, %dma_start3A_498, %dma_start3A_499] : memref<5x80x128xf32, #tpu.memory_space<vmem>> -> memref<1x80x128xf32, #tpu.memory_space<vmem>>
        %dma_start3A_501 = tpu.memref_squeeze %dma_start3A_500 : memref<1x80x128xf32, #tpu.memory_space<vmem>> -> memref<80x128xf32, #tpu.memory_space<vmem>>
        %dma_start3A_502 = arith.constant 0 : i32
        %dma_start3A_503 = tpu.memref_slice %arg6[%multiple_of3A_496, %dma_start3A_502] : memref<320000x128xf32, #tpu.memory_space<hbm>> -> memref<80x128xf32, #tpu.memory_space<hbm>>
        %dma_start3A_504 = arith.constant 0 : i32
        %dma_start3A_505 = arith.constant 0 : i32
        %dma_start3A_506 = tpu.memref_slice %arg19[%dma_start3A_497, %dma_start3A_504, %dma_start3A_505] : memref<5x80x128xf32, #tpu.memory_space<vmem>> -> memref<1x80x128xf32, #tpu.memory_space<vmem>>
        %dma_start3A_507 = tpu.memref_squeeze %dma_start3A_506 : memref<1x80x128xf32, #tpu.memory_space<vmem>> -> memref<80x128xf32, #tpu.memory_space<vmem>>
        %dma_start3A_508 = arith.constant 0 : i32
        %dma_start3A_509 = tpu.memref_slice %arg6[%multiple_of3A_496, %dma_start3A_508] : memref<320000x128xf32, #tpu.memory_space<hbm>> -> memref<80x128xf32, #tpu.memory_space<hbm>>
        tpu.enqueue_dma source(%dma_start3A_509 : memref<80x128xf32, #tpu.memory_space<hbm>>) target(%dma_start3A_507 : memref<80x128xf32, #tpu.memory_space<vmem>>) target_semaphore(%arg24 : memref<!tpu.dma_semaphore, #tpu.memory_space<semaphore_mem>>)
      } else {
      }
      %add3A_310 = arith.constant 2 : i32
      %add3A_311 = arith.addi %mul3A_205, %add3A_310 : i32
      %mul3A_312 = arith.constant 80 : i32
      %mul3A_313 = arith.muli %add3A_311, %mul3A_312 : i32
      %add3A_314 = arith.addi %mul3A_2, %mul3A_313 : i32
      %multiple_of3A_315 = tpu.assume_multiple %add3A_314, 8 : i32
      %dma_wait3A_316 = arith.constant 2 : i32
      %dma_wait3A_317 = arith.constant 0 : i32
      %dma_wait3A_318 = arith.constant 0 : i32
      %dma_wait3A_319 = tpu.memref_slice %arg19[%dma_wait3A_316, %dma_wait3A_317, %dma_wait3A_318] : memref<5x80x128xf32, #tpu.memory_space<vmem>> -> memref<1x80x128xf32, #tpu.memory_space<vmem>>
      %dma_wait3A_320 = tpu.memref_squeeze %dma_wait3A_319 : memref<1x80x128xf32, #tpu.memory_space<vmem>> -> memref<80x128xf32, #tpu.memory_space<vmem>>
      %dma_wait3A_321 = arith.constant 0 : i32
      %dma_wait3A_322 = tpu.memref_slice %arg6[%multiple_of3A_315, %dma_wait3A_321] : memref<320000x128xf32, #tpu.memory_space<hbm>> -> memref<80x128xf32, #tpu.memory_space<hbm>>
      %dma_wait3A_323 = arith.constant 0 : i32
      %dma_wait3A_324 = arith.constant 0 : i32
      %dma_wait3A_325 = tpu.memref_slice %arg19[%dma_wait3A_316, %dma_wait3A_323, %dma_wait3A_324] : memref<5x80x128xf32, #tpu.memory_space<vmem>> -> memref<1x80x128xf32, #tpu.memory_space<vmem>>
      %dma_wait3A_326 = tpu.memref_squeeze %dma_wait3A_325 : memref<1x80x128xf32, #tpu.memory_space<vmem>> -> memref<80x128xf32, #tpu.memory_space<vmem>>
      %dma_wait3A_327 = arith.constant 0 : i32
      %dma_wait3A_328 = tpu.memref_slice %arg6[%multiple_of3A_315, %dma_wait3A_327] : memref<320000x128xf32, #tpu.memory_space<hbm>> -> memref<80x128xf32, #tpu.memory_space<hbm>>
      tpu.wait_dma2 semaphore(%arg23 : memref<!tpu.dma_semaphore, #tpu.memory_space<semaphore_mem>>) src(%dma_wait3A_328 : memref<80x128xf32, #tpu.memory_space<hbm>>) dst(%dma_wait3A_326 : memref<80x128xf32, #tpu.memory_space<vmem>>)
      %mul3A_329 = arith.constant 80 : i32
      %mul3A_330 = arith.muli %add3A_311, %mul3A_329 : i32
      %broadcast_in_dim3A_331 = vector.broadcast %mul3A_330 : i32 to vector<16xi32>
      %scan3A_332 = arith.constant 0 : i32
      %scan3A_333 = arith.constant 0 : i32
      %scan3A_334 = arith.constant 80 : i32
      %scan3A_335 = arith.addi %scan3A_333, %scan3A_334 : i32
      %scan3A_336 = arith.constant 1 : i32
      scf.for %scan3A_475 = %scan3A_333 to %scan3A_335 step %scan3A_336  : i32 {
        %add3A_476 = vector.broadcast %scan3A_475 : i32 to vector<16xi32>
        %add3A_477 = arith.addi %broadcast_in_dim3A_331, %add3A_476 : vector<16xi32>
        %gather3A = tpu.vector_load_idx %arg18[%add3A_477] : memref<10000xf32, #tpu.memory_space<vmem>>[vector<16xi32>], vector<16xf32>,
        %get3A = arith.constant 2 : i32
        %get3A_478 = arith.index_cast %get3A : i32 to index
        %get3A_479 = arith.index_cast %scan3A_475 : i32 to index
        %get3A_480 = arith.constant 0 : index
        %get3A_481 = tpu.vector_load %arg19[%get3A_478, %get3A_479, %get3A_480] {strides = array<i32>} : memref<5x80x128xf32, #tpu.memory_space<vmem>>, vector<16xf32>,
        %mul3A_482 = arith.mulf %get3A_481, %gather3A : vector<16xf32>
        %swap3A = arith.constant 2 : i32
        %swap3A_483 = arith.index_cast %swap3A : i32 to index
        %swap3A_484 = arith.index_cast %scan3A_475 : i32 to index
        %swap3A_485 = arith.constant 0 : index
        %swap3A_486 = tpu.vector_load %arg19[%swap3A_483, %swap3A_484, %swap3A_485] {strides = array<i32>} : memref<5x80x128xf32, #tpu.memory_space<vmem>>, vector<16xf32>,
        tpu.vector_store %arg19[%swap3A_483, %swap3A_484, %swap3A_485], %mul3A_482 {strides = array<i32>} : memref<5x80x128xf32, #tpu.memory_space<vmem>>, vector<16xf32>,
        %get3A_487 = arith.constant 2 : i32
        %get3A_488 = arith.index_cast %get3A_487 : i32 to index
        %get3A_489 = arith.index_cast %scan3A_475 : i32 to index
        %get3A_490 = arith.constant 16 : index
        %get3A_491 = tpu.vector_load %arg19[%get3A_488, %get3A_489, %get3A_490] {strides = array<i32>} : memref<5x80x128xf32, #tpu.memory_space<vmem>>, vector<16xf32>,
        %mul3A_492 = arith.mulf %get3A_491, %gather3A : vector<16xf32>
        %swap3A_493 = arith.constant 2 : i32
        %swap3A_494 = arith.index_cast %swap3A_493 : i32 to index
        %swap3A_495 = arith.index_cast %scan3A_475 : i32 to index
        %swap3A_496 = arith.constant 16 : index
        %swap3A_497 = tpu.vector_load %arg19[%swap3A_494, %swap3A_495, %swap3A_496] {strides = array<i32>} : memref<5x80x128xf32, #tpu.memory_space<vmem>>, vector<16xf32>,
        tpu.vector_store %arg19[%swap3A_494, %swap3A_495, %swap3A_496], %mul3A_492 {strides = array<i32>} : memref<5x80x128xf32, #tpu.memory_space<vmem>>, vector<16xf32>,
        %get3A_498 = arith.constant 2 : i32
        %get3A_499 = arith.index_cast %get3A_498 : i32 to index
        %get3A_500 = arith.index_cast %scan3A_475 : i32 to index
        %get3A_501 = arith.constant 32 : index
        %get3A_502 = tpu.vector_load %arg19[%get3A_499, %get3A_500, %get3A_501] {strides = array<i32>} : memref<5x80x128xf32, #tpu.memory_space<vmem>>, vector<16xf32>,
        %mul3A_503 = arith.mulf %get3A_502, %gather3A : vector<16xf32>
        %swap3A_504 = arith.constant 2 : i32
        %swap3A_505 = arith.index_cast %swap3A_504 : i32 to index
        %swap3A_506 = arith.index_cast %scan3A_475 : i32 to index
        %swap3A_507 = arith.constant 32 : index
        %swap3A_508 = tpu.vector_load %arg19[%swap3A_505, %swap3A_506, %swap3A_507] {strides = array<i32>} : memref<5x80x128xf32, #tpu.memory_space<vmem>>, vector<16xf32>,
        tpu.vector_store %arg19[%swap3A_505, %swap3A_506, %swap3A_507], %mul3A_503 {strides = array<i32>} : memref<5x80x128xf32, #tpu.memory_space<vmem>>, vector<16xf32>,
        %get3A_509 = arith.constant 2 : i32
        %get3A_510 = arith.index_cast %get3A_509 : i32 to index
        %get3A_511 = arith.index_cast %scan3A_475 : i32 to index
        %get3A_512 = arith.constant 48 : index
        %get3A_513 = tpu.vector_load %arg19[%get3A_510, %get3A_511, %get3A_512] {strides = array<i32>} : memref<5x80x128xf32, #tpu.memory_space<vmem>>, vector<16xf32>,
        %mul3A_514 = arith.mulf %get3A_513, %gather3A : vector<16xf32>
        %swap3A_515 = arith.constant 2 : i32
        %swap3A_516 = arith.index_cast %swap3A_515 : i32 to index
        %swap3A_517 = arith.index_cast %scan3A_475 : i32 to index
        %swap3A_518 = arith.constant 48 : index
        %swap3A_519 = tpu.vector_load %arg19[%swap3A_516, %swap3A_517, %swap3A_518] {strides = array<i32>} : memref<5x80x128xf32, #tpu.memory_space<vmem>>, vector<16xf32>,
        tpu.vector_store %arg19[%swap3A_516, %swap3A_517, %swap3A_518], %mul3A_514 {strides = array<i32>} : memref<5x80x128xf32, #tpu.memory_space<vmem>>, vector<16xf32>,
        %get3A_520 = arith.constant 2 : i32
        %get3A_521 = arith.index_cast %get3A_520 : i32 to index
        %get3A_522 = arith.index_cast %scan3A_475 : i32 to index
        %get3A_523 = arith.constant 64 : index
        %get3A_524 = tpu.vector_load %arg19[%get3A_521, %get3A_522, %get3A_523] {strides = array<i32>} : memref<5x80x128xf32, #tpu.memory_space<vmem>>, vector<16xf32>,
        %mul3A_525 = arith.mulf %get3A_524, %gather3A : vector<16xf32>
        %swap3A_526 = arith.constant 2 : i32
        %swap3A_527 = arith.index_cast %swap3A_526 : i32 to index
        %swap3A_528 = arith.index_cast %scan3A_475 : i32 to index
        %swap3A_529 = arith.constant 64 : index
        %swap3A_530 = tpu.vector_load %arg19[%swap3A_527, %swap3A_528, %swap3A_529] {strides = array<i32>} : memref<5x80x128xf32, #tpu.memory_space<vmem>>, vector<16xf32>,
        tpu.vector_store %arg19[%swap3A_527, %swap3A_528, %swap3A_529], %mul3A_525 {strides = array<i32>} : memref<5x80x128xf32, #tpu.memory_space<vmem>>, vector<16xf32>,
        %get3A_531 = arith.constant 2 : i32
        %get3A_532 = arith.index_cast %get3A_531 : i32 to index
        %get3A_533 = arith.index_cast %scan3A_475 : i32 to index
        %get3A_534 = arith.constant 80 : index
        %get3A_535 = tpu.vector_load %arg19[%get3A_532, %get3A_533, %get3A_534] {strides = array<i32>} : memref<5x80x128xf32, #tpu.memory_space<vmem>>, vector<16xf32>,
        %mul3A_536 = arith.mulf %get3A_535, %gather3A : vector<16xf32>
        %swap3A_537 = arith.constant 2 : i32
        %swap3A_538 = arith.index_cast %swap3A_537 : i32 to index
        %swap3A_539 = arith.index_cast %scan3A_475 : i32 to index
        %swap3A_540 = arith.constant 80 : index
        %swap3A_541 = tpu.vector_load %arg19[%swap3A_538, %swap3A_539, %swap3A_540] {strides = array<i32>} : memref<5x80x128xf32, #tpu.memory_space<vmem>>, vector<16xf32>,
        tpu.vector_store %arg19[%swap3A_538, %swap3A_539, %swap3A_540], %mul3A_536 {strides = array<i32>} : memref<5x80x128xf32, #tpu.memory_space<vmem>>, vector<16xf32>,
        %get3A_542 = arith.constant 2 : i32
        %get3A_543 = arith.index_cast %get3A_542 : i32 to index
        %get3A_544 = arith.index_cast %scan3A_475 : i32 to index
        %get3A_545 = arith.constant 96 : index
        %get3A_546 = tpu.vector_load %arg19[%get3A_543, %get3A_544, %get3A_545] {strides = array<i32>} : memref<5x80x128xf32, #tpu.memory_space<vmem>>, vector<16xf32>,
        %mul3A_547 = arith.mulf %get3A_546, %gather3A : vector<16xf32>
        %swap3A_548 = arith.constant 2 : i32
        %swap3A_549 = arith.index_cast %swap3A_548 : i32 to index
        %swap3A_550 = arith.index_cast %scan3A_475 : i32 to index
        %swap3A_551 = arith.constant 96 : index
        %swap3A_552 = tpu.vector_load %arg19[%swap3A_549, %swap3A_550, %swap3A_551] {strides = array<i32>} : memref<5x80x128xf32, #tpu.memory_space<vmem>>, vector<16xf32>,
        tpu.vector_store %arg19[%swap3A_549, %swap3A_550, %swap3A_551], %mul3A_547 {strides = array<i32>} : memref<5x80x128xf32, #tpu.memory_space<vmem>>, vector<16xf32>,
        %get3A_553 = arith.constant 2 : i32
        %get3A_554 = arith.index_cast %get3A_553 : i32 to index
        %get3A_555 = arith.index_cast %scan3A_475 : i32 to index
        %get3A_556 = arith.constant 112 : index
        %get3A_557 = tpu.vector_load %arg19[%get3A_554, %get3A_555, %get3A_556] {strides = array<i32>} : memref<5x80x128xf32, #tpu.memory_space<vmem>>, vector<16xf32>,
        %mul3A_558 = arith.mulf %get3A_557, %gather3A : vector<16xf32>
        %swap3A_559 = arith.constant 2 : i32
        %swap3A_560 = arith.index_cast %swap3A_559 : i32 to index
        %swap3A_561 = arith.index_cast %scan3A_475 : i32 to index
        %swap3A_562 = arith.constant 112 : index
        %swap3A_563 = tpu.vector_load %arg19[%swap3A_560, %swap3A_561, %swap3A_562] {strides = array<i32>} : memref<5x80x128xf32, #tpu.memory_space<vmem>>, vector<16xf32>,
        tpu.vector_store %arg19[%swap3A_560, %swap3A_561, %swap3A_562], %mul3A_558 {strides = array<i32>} : memref<5x80x128xf32, #tpu.memory_space<vmem>>, vector<16xf32>,
      }
      %scan3A_337 = arith.constant 80 : i32
      %mul3A_338 = arith.constant 80 : i32
      %mul3A_339 = arith.muli %add3A_311, %mul3A_338 : i32
      %add3A_340 = arith.addi %mul3A_2, %mul3A_339 : i32
      %multiple_of3A_341 = tpu.assume_multiple %add3A_340, 8 : i32
      %dma_start3A_342 = arith.constant 2 : i32
      %dma_start3A_343 = arith.constant 0 : i32
      %dma_start3A_344 = arith.constant 0 : i32
      %dma_start3A_345 = tpu.memref_slice %arg19[%dma_start3A_342, %dma_start3A_343, %dma_start3A_344] : memref<5x80x128xf32, #tpu.memory_space<vmem>> -> memref<1x80x128xf32, #tpu.memory_space<vmem>>
      %dma_start3A_346 = tpu.memref_squeeze %dma_start3A_345 : memref<1x80x128xf32, #tpu.memory_space<vmem>> -> memref<80x128xf32, #tpu.memory_space<vmem>>
      %dma_start3A_347 = arith.constant 0 : i32
      %dma_start3A_348 = tpu.memref_slice %arg8[%multiple_of3A_341, %dma_start3A_347] : memref<320000x128xf32, #tpu.memory_space<hbm>> -> memref<80x128xf32, #tpu.memory_space<hbm>>
      %dma_start3A_349 = arith.constant 0 : i32
      %dma_start3A_350 = tpu.memref_slice %arg8[%multiple_of3A_341, %dma_start3A_349] : memref<320000x128xf32, #tpu.memory_space<hbm>> -> memref<80x128xf32, #tpu.memory_space<hbm>>
      %dma_start3A_351 = arith.constant 0 : i32
      %dma_start3A_352 = arith.constant 0 : i32
      %dma_start3A_353 = tpu.memref_slice %arg19[%dma_start3A_342, %dma_start3A_351, %dma_start3A_352] : memref<5x80x128xf32, #tpu.memory_space<vmem>> -> memref<1x80x128xf32, #tpu.memory_space<vmem>>
      %dma_start3A_354 = tpu.memref_squeeze %dma_start3A_353 : memref<1x80x128xf32, #tpu.memory_space<vmem>> -> memref<80x128xf32, #tpu.memory_space<vmem>>
      tpu.enqueue_dma source(%dma_start3A_354 : memref<80x128xf32, #tpu.memory_space<vmem>>) target(%dma_start3A_350 : memref<80x128xf32, #tpu.memory_space<hbm>>) target_semaphore(%arg28 : memref<!tpu.dma_semaphore, #tpu.memory_space<semaphore_mem>>)
      %add3A_355 = arith.constant 2 : i32
      %add3A_356 = arith.addi %add3A_311, %add3A_355 : i32
      %ge3A_357 = arith.constant 5 : i32
      %ge3A_358 = arith.cmpi sge, %add3A_356, %ge3A_357 : i32
      %lt3A_359 = arith.constant 125 : i32
      %lt3A_360 = arith.cmpi slt, %add3A_356, %lt3A_359 : i32
      %and3A_361 = arith.andi %ge3A_358, %lt3A_360 : i1
      %convert_element_type3A_362 = arith.extui %and3A_361 : i1 to i32
      %cond3A_363 = arith.constant 0 : i32
      %cond3A_364 = arith.cmpi ne, %convert_element_type3A_362, %cond3A_363 : i32
      scf.if %cond3A_364 {
        %sub3A = arith.constant 5 : i32
        %sub3A_475 = arith.subi %add3A_356, %sub3A : i32
        %mul3A_476 = arith.constant 80 : i32
        %mul3A_477 = arith.muli %sub3A_475, %mul3A_476 : i32
        %add3A_478 = arith.addi %mul3A_2, %mul3A_477 : i32
        %multiple_of3A_479 = tpu.assume_multiple %add3A_478, 8 : i32
        %dma_wait3A_480 = arith.constant 4 : i32
        %dma_wait3A_481 = arith.constant 0 : i32
        %dma_wait3A_482 = arith.constant 0 : i32
        %dma_wait3A_483 = tpu.memref_slice %arg19[%dma_wait3A_480, %dma_wait3A_481, %dma_wait3A_482] : memref<5x80x128xf32, #tpu.memory_space<vmem>> -> memref<1x80x128xf32, #tpu.memory_space<vmem>>
        %dma_wait3A_484 = tpu.memref_squeeze %dma_wait3A_483 : memref<1x80x128xf32, #tpu.memory_space<vmem>> -> memref<80x128xf32, #tpu.memory_space<vmem>>
        %dma_wait3A_485 = arith.constant 0 : i32
        %dma_wait3A_486 = tpu.memref_slice %arg8[%multiple_of3A_479, %dma_wait3A_485] : memref<320000x128xf32, #tpu.memory_space<hbm>> -> memref<80x128xf32, #tpu.memory_space<hbm>>
        %dma_wait3A_487 = arith.constant 0 : i32
        %dma_wait3A_488 = tpu.memref_slice %arg8[%multiple_of3A_479, %dma_wait3A_487] : memref<320000x128xf32, #tpu.memory_space<hbm>> -> memref<80x128xf32, #tpu.memory_space<hbm>>
        %dma_wait3A_489 = arith.constant 0 : i32
        %dma_wait3A_490 = arith.constant 0 : i32
        %dma_wait3A_491 = tpu.memref_slice %arg19[%dma_wait3A_480, %dma_wait3A_489, %dma_wait3A_490] : memref<5x80x128xf32, #tpu.memory_space<vmem>> -> memref<1x80x128xf32, #tpu.memory_space<vmem>>
        %dma_wait3A_492 = tpu.memref_squeeze %dma_wait3A_491 : memref<1x80x128xf32, #tpu.memory_space<vmem>> -> memref<80x128xf32, #tpu.memory_space<vmem>>
        tpu.wait_dma2 semaphore(%arg30 : memref<!tpu.dma_semaphore, #tpu.memory_space<semaphore_mem>>) src(%dma_wait3A_492 : memref<80x128xf32, #tpu.memory_space<vmem>>) dst(%dma_wait3A_488 : memref<80x128xf32, #tpu.memory_space<hbm>>)
        %mul3A_493 = arith.constant 80 : i32
        %mul3A_494 = arith.muli %add3A_356, %mul3A_493 : i32
        %add3A_495 = arith.addi %mul3A_2, %mul3A_494 : i32
        %multiple_of3A_496 = tpu.assume_multiple %add3A_495, 8 : i32
        %dma_start3A_497 = arith.constant 4 : i32
        %dma_start3A_498 = arith.constant 0 : i32
        %dma_start3A_499 = arith.constant 0 : i32
        %dma_start3A_500 = tpu.memref_slice %arg19[%dma_start3A_497, %dma_start3A_498, %dma_start3A_499] : memref<5x80x128xf32, #tpu.memory_space<vmem>> -> memref<1x80x128xf32, #tpu.memory_space<vmem>>
        %dma_start3A_501 = tpu.memref_squeeze %dma_start3A_500 : memref<1x80x128xf32, #tpu.memory_space<vmem>> -> memref<80x128xf32, #tpu.memory_space<vmem>>
        %dma_start3A_502 = arith.constant 0 : i32
        %dma_start3A_503 = tpu.memref_slice %arg6[%multiple_of3A_496, %dma_start3A_502] : memref<320000x128xf32, #tpu.memory_space<hbm>> -> memref<80x128xf32, #tpu.memory_space<hbm>>
        %dma_start3A_504 = arith.constant 0 : i32
        %dma_start3A_505 = arith.constant 0 : i32
        %dma_start3A_506 = tpu.memref_slice %arg19[%dma_start3A_497, %dma_start3A_504, %dma_start3A_505] : memref<5x80x128xf32, #tpu.memory_space<vmem>> -> memref<1x80x128xf32, #tpu.memory_space<vmem>>
        %dma_start3A_507 = tpu.memref_squeeze %dma_start3A_506 : memref<1x80x128xf32, #tpu.memory_space<vmem>> -> memref<80x128xf32, #tpu.memory_space<vmem>>
        %dma_start3A_508 = arith.constant 0 : i32
        %dma_start3A_509 = tpu.memref_slice %arg6[%multiple_of3A_496, %dma_start3A_508] : memref<320000x128xf32, #tpu.memory_space<hbm>> -> memref<80x128xf32, #tpu.memory_space<hbm>>
        tpu.enqueue_dma source(%dma_start3A_509 : memref<80x128xf32, #tpu.memory_space<hbm>>) target(%dma_start3A_507 : memref<80x128xf32, #tpu.memory_space<vmem>>) target_semaphore(%arg25 : memref<!tpu.dma_semaphore, #tpu.memory_space<semaphore_mem>>)
      } else {
      }
      %add3A_365 = arith.constant 3 : i32
      %add3A_366 = arith.addi %mul3A_205, %add3A_365 : i32
      %mul3A_367 = arith.constant 80 : i32
      %mul3A_368 = arith.muli %add3A_366, %mul3A_367 : i32
      %add3A_369 = arith.addi %mul3A_2, %mul3A_368 : i32
      %multiple_of3A_370 = tpu.assume_multiple %add3A_369, 8 : i32
      %dma_wait3A_371 = arith.constant 3 : i32
      %dma_wait3A_372 = arith.constant 0 : i32
      %dma_wait3A_373 = arith.constant 0 : i32
      %dma_wait3A_374 = tpu.memref_slice %arg19[%dma_wait3A_371, %dma_wait3A_372, %dma_wait3A_373] : memref<5x80x128xf32, #tpu.memory_space<vmem>> -> memref<1x80x128xf32, #tpu.memory_space<vmem>>
      %dma_wait3A_375 = tpu.memref_squeeze %dma_wait3A_374 : memref<1x80x128xf32, #tpu.memory_space<vmem>> -> memref<80x128xf32, #tpu.memory_space<vmem>>
      %dma_wait3A_376 = arith.constant 0 : i32
      %dma_wait3A_377 = tpu.memref_slice %arg6[%multiple_of3A_370, %dma_wait3A_376] : memref<320000x128xf32, #tpu.memory_space<hbm>> -> memref<80x128xf32, #tpu.memory_space<hbm>>
      %dma_wait3A_378 = arith.constant 0 : i32
      %dma_wait3A_379 = arith.constant 0 : i32
      %dma_wait3A_380 = tpu.memref_slice %arg19[%dma_wait3A_371, %dma_wait3A_378, %dma_wait3A_379] : memref<5x80x128xf32, #tpu.memory_space<vmem>> -> memref<1x80x128xf32, #tpu.memory_space<vmem>>
      %dma_wait3A_381 = tpu.memref_squeeze %dma_wait3A_380 : memref<1x80x128xf32, #tpu.memory_space<vmem>> -> memref<80x128xf32, #tpu.memory_space<vmem>>
      %dma_wait3A_382 = arith.constant 0 : i32
      %dma_wait3A_383 = tpu.memref_slice %arg6[%multiple_of3A_370, %dma_wait3A_382] : memref<320000x128xf32, #tpu.memory_space<hbm>> -> memref<80x128xf32, #tpu.memory_space<hbm>>
      tpu.wait_dma2 semaphore(%arg24 : memref<!tpu.dma_semaphore, #tpu.memory_space<semaphore_mem>>) src(%dma_wait3A_383 : memref<80x128xf32, #tpu.memory_space<hbm>>) dst(%dma_wait3A_381 : memref<80x128xf32, #tpu.memory_space<vmem>>)
      %mul3A_384 = arith.constant 80 : i32
      %mul3A_385 = arith.muli %add3A_366, %mul3A_384 : i32
      %broadcast_in_dim3A_386 = vector.broadcast %mul3A_385 : i32 to vector<16xi32>
      %scan3A_387 = arith.constant 0 : i32
      %scan3A_388 = arith.constant 0 : i32
      %scan3A_389 = arith.constant 80 : i32
      %scan3A_390 = arith.addi %scan3A_388, %scan3A_389 : i32
      %scan3A_391 = arith.constant 1 : i32
      scf.for %scan3A_475 = %scan3A_388 to %scan3A_390 step %scan3A_391  : i32 {
        %add3A_476 = vector.broadcast %scan3A_475 : i32 to vector<16xi32>
        %add3A_477 = arith.addi %broadcast_in_dim3A_386, %add3A_476 : vector<16xi32>
        %gather3A = tpu.vector_load_idx %arg18[%add3A_477] : memref<10000xf32, #tpu.memory_space<vmem>>[vector<16xi32>], vector<16xf32>,
        %get3A = arith.constant 3 : i32
        %get3A_478 = arith.index_cast %get3A : i32 to index
        %get3A_479 = arith.index_cast %scan3A_475 : i32 to index
        %get3A_480 = arith.constant 0 : index
        %get3A_481 = tpu.vector_load %arg19[%get3A_478, %get3A_479, %get3A_480] {strides = array<i32>} : memref<5x80x128xf32, #tpu.memory_space<vmem>>, vector<16xf32>,
        %mul3A_482 = arith.mulf %get3A_481, %gather3A : vector<16xf32>
        %swap3A = arith.constant 3 : i32
        %swap3A_483 = arith.index_cast %swap3A : i32 to index
        %swap3A_484 = arith.index_cast %scan3A_475 : i32 to index
        %swap3A_485 = arith.constant 0 : index
        %swap3A_486 = tpu.vector_load %arg19[%swap3A_483, %swap3A_484, %swap3A_485] {strides = array<i32>} : memref<5x80x128xf32, #tpu.memory_space<vmem>>, vector<16xf32>,
        tpu.vector_store %arg19[%swap3A_483, %swap3A_484, %swap3A_485], %mul3A_482 {strides = array<i32>} : memref<5x80x128xf32, #tpu.memory_space<vmem>>, vector<16xf32>,
        %get3A_487 = arith.constant 3 : i32
        %get3A_488 = arith.index_cast %get3A_487 : i32 to index
        %get3A_489 = arith.index_cast %scan3A_475 : i32 to index
        %get3A_490 = arith.constant 16 : index
        %get3A_491 = tpu.vector_load %arg19[%get3A_488, %get3A_489, %get3A_490] {strides = array<i32>} : memref<5x80x128xf32, #tpu.memory_space<vmem>>, vector<16xf32>,
        %mul3A_492 = arith.mulf %get3A_491, %gather3A : vector<16xf32>
        %swap3A_493 = arith.constant 3 : i32
        %swap3A_494 = arith.index_cast %swap3A_493 : i32 to index
        %swap3A_495 = arith.index_cast %scan3A_475 : i32 to index
        %swap3A_496 = arith.constant 16 : index
        %swap3A_497 = tpu.vector_load %arg19[%swap3A_494, %swap3A_495, %swap3A_496] {strides = array<i32>} : memref<5x80x128xf32, #tpu.memory_space<vmem>>, vector<16xf32>,
        tpu.vector_store %arg19[%swap3A_494, %swap3A_495, %swap3A_496], %mul3A_492 {strides = array<i32>} : memref<5x80x128xf32, #tpu.memory_space<vmem>>, vector<16xf32>,
        %get3A_498 = arith.constant 3 : i32
        %get3A_499 = arith.index_cast %get3A_498 : i32 to index
        %get3A_500 = arith.index_cast %scan3A_475 : i32 to index
        %get3A_501 = arith.constant 32 : index
        %get3A_502 = tpu.vector_load %arg19[%get3A_499, %get3A_500, %get3A_501] {strides = array<i32>} : memref<5x80x128xf32, #tpu.memory_space<vmem>>, vector<16xf32>,
        %mul3A_503 = arith.mulf %get3A_502, %gather3A : vector<16xf32>
        %swap3A_504 = arith.constant 3 : i32
        %swap3A_505 = arith.index_cast %swap3A_504 : i32 to index
        %swap3A_506 = arith.index_cast %scan3A_475 : i32 to index
        %swap3A_507 = arith.constant 32 : index
        %swap3A_508 = tpu.vector_load %arg19[%swap3A_505, %swap3A_506, %swap3A_507] {strides = array<i32>} : memref<5x80x128xf32, #tpu.memory_space<vmem>>, vector<16xf32>,
        tpu.vector_store %arg19[%swap3A_505, %swap3A_506, %swap3A_507], %mul3A_503 {strides = array<i32>} : memref<5x80x128xf32, #tpu.memory_space<vmem>>, vector<16xf32>,
        %get3A_509 = arith.constant 3 : i32
        %get3A_510 = arith.index_cast %get3A_509 : i32 to index
        %get3A_511 = arith.index_cast %scan3A_475 : i32 to index
        %get3A_512 = arith.constant 48 : index
        %get3A_513 = tpu.vector_load %arg19[%get3A_510, %get3A_511, %get3A_512] {strides = array<i32>} : memref<5x80x128xf32, #tpu.memory_space<vmem>>, vector<16xf32>,
        %mul3A_514 = arith.mulf %get3A_513, %gather3A : vector<16xf32>
        %swap3A_515 = arith.constant 3 : i32
        %swap3A_516 = arith.index_cast %swap3A_515 : i32 to index
        %swap3A_517 = arith.index_cast %scan3A_475 : i32 to index
        %swap3A_518 = arith.constant 48 : index
        %swap3A_519 = tpu.vector_load %arg19[%swap3A_516, %swap3A_517, %swap3A_518] {strides = array<i32>} : memref<5x80x128xf32, #tpu.memory_space<vmem>>, vector<16xf32>,
        tpu.vector_store %arg19[%swap3A_516, %swap3A_517, %swap3A_518], %mul3A_514 {strides = array<i32>} : memref<5x80x128xf32, #tpu.memory_space<vmem>>, vector<16xf32>,
        %get3A_520 = arith.constant 3 : i32
        %get3A_521 = arith.index_cast %get3A_520 : i32 to index
        %get3A_522 = arith.index_cast %scan3A_475 : i32 to index
        %get3A_523 = arith.constant 64 : index
        %get3A_524 = tpu.vector_load %arg19[%get3A_521, %get3A_522, %get3A_523] {strides = array<i32>} : memref<5x80x128xf32, #tpu.memory_space<vmem>>, vector<16xf32>,
        %mul3A_525 = arith.mulf %get3A_524, %gather3A : vector<16xf32>
        %swap3A_526 = arith.constant 3 : i32
        %swap3A_527 = arith.index_cast %swap3A_526 : i32 to index
        %swap3A_528 = arith.index_cast %scan3A_475 : i32 to index
        %swap3A_529 = arith.constant 64 : index
        %swap3A_530 = tpu.vector_load %arg19[%swap3A_527, %swap3A_528, %swap3A_529] {strides = array<i32>} : memref<5x80x128xf32, #tpu.memory_space<vmem>>, vector<16xf32>,
        tpu.vector_store %arg19[%swap3A_527, %swap3A_528, %swap3A_529], %mul3A_525 {strides = array<i32>} : memref<5x80x128xf32, #tpu.memory_space<vmem>>, vector<16xf32>,
        %get3A_531 = arith.constant 3 : i32
        %get3A_532 = arith.index_cast %get3A_531 : i32 to index
        %get3A_533 = arith.index_cast %scan3A_475 : i32 to index
        %get3A_534 = arith.constant 80 : index
        %get3A_535 = tpu.vector_load %arg19[%get3A_532, %get3A_533, %get3A_534] {strides = array<i32>} : memref<5x80x128xf32, #tpu.memory_space<vmem>>, vector<16xf32>,
        %mul3A_536 = arith.mulf %get3A_535, %gather3A : vector<16xf32>
        %swap3A_537 = arith.constant 3 : i32
        %swap3A_538 = arith.index_cast %swap3A_537 : i32 to index
        %swap3A_539 = arith.index_cast %scan3A_475 : i32 to index
        %swap3A_540 = arith.constant 80 : index
        %swap3A_541 = tpu.vector_load %arg19[%swap3A_538, %swap3A_539, %swap3A_540] {strides = array<i32>} : memref<5x80x128xf32, #tpu.memory_space<vmem>>, vector<16xf32>,
        tpu.vector_store %arg19[%swap3A_538, %swap3A_539, %swap3A_540], %mul3A_536 {strides = array<i32>} : memref<5x80x128xf32, #tpu.memory_space<vmem>>, vector<16xf32>,
        %get3A_542 = arith.constant 3 : i32
        %get3A_543 = arith.index_cast %get3A_542 : i32 to index
        %get3A_544 = arith.index_cast %scan3A_475 : i32 to index
        %get3A_545 = arith.constant 96 : index
        %get3A_546 = tpu.vector_load %arg19[%get3A_543, %get3A_544, %get3A_545] {strides = array<i32>} : memref<5x80x128xf32, #tpu.memory_space<vmem>>, vector<16xf32>,
        %mul3A_547 = arith.mulf %get3A_546, %gather3A : vector<16xf32>
        %swap3A_548 = arith.constant 3 : i32
        %swap3A_549 = arith.index_cast %swap3A_548 : i32 to index
        %swap3A_550 = arith.index_cast %scan3A_475 : i32 to index
        %swap3A_551 = arith.constant 96 : index
        %swap3A_552 = tpu.vector_load %arg19[%swap3A_549, %swap3A_550, %swap3A_551] {strides = array<i32>} : memref<5x80x128xf32, #tpu.memory_space<vmem>>, vector<16xf32>,
        tpu.vector_store %arg19[%swap3A_549, %swap3A_550, %swap3A_551], %mul3A_547 {strides = array<i32>} : memref<5x80x128xf32, #tpu.memory_space<vmem>>, vector<16xf32>,
        %get3A_553 = arith.constant 3 : i32
        %get3A_554 = arith.index_cast %get3A_553 : i32 to index
        %get3A_555 = arith.index_cast %scan3A_475 : i32 to index
        %get3A_556 = arith.constant 112 : index
        %get3A_557 = tpu.vector_load %arg19[%get3A_554, %get3A_555, %get3A_556] {strides = array<i32>} : memref<5x80x128xf32, #tpu.memory_space<vmem>>, vector<16xf32>,
        %mul3A_558 = arith.mulf %get3A_557, %gather3A : vector<16xf32>
        %swap3A_559 = arith.constant 3 : i32
        %swap3A_560 = arith.index_cast %swap3A_559 : i32 to index
        %swap3A_561 = arith.index_cast %scan3A_475 : i32 to index
        %swap3A_562 = arith.constant 112 : index
        %swap3A_563 = tpu.vector_load %arg19[%swap3A_560, %swap3A_561, %swap3A_562] {strides = array<i32>} : memref<5x80x128xf32, #tpu.memory_space<vmem>>, vector<16xf32>,
        tpu.vector_store %arg19[%swap3A_560, %swap3A_561, %swap3A_562], %mul3A_558 {strides = array<i32>} : memref<5x80x128xf32, #tpu.memory_space<vmem>>, vector<16xf32>,
      }
      %scan3A_392 = arith.constant 80 : i32
      %mul3A_393 = arith.constant 80 : i32
      %mul3A_394 = arith.muli %add3A_366, %mul3A_393 : i32
      %add3A_395 = arith.addi %mul3A_2, %mul3A_394 : i32
      %multiple_of3A_396 = tpu.assume_multiple %add3A_395, 8 : i32
      %dma_start3A_397 = arith.constant 3 : i32
      %dma_start3A_398 = arith.constant 0 : i32
      %dma_start3A_399 = arith.constant 0 : i32
      %dma_start3A_400 = tpu.memref_slice %arg19[%dma_start3A_397, %dma_start3A_398, %dma_start3A_399] : memref<5x80x128xf32, #tpu.memory_space<vmem>> -> memref<1x80x128xf32, #tpu.memory_space<vmem>>
      %dma_start3A_401 = tpu.memref_squeeze %dma_start3A_400 : memref<1x80x128xf32, #tpu.memory_space<vmem>> -> memref<80x128xf32, #tpu.memory_space<vmem>>
      %dma_start3A_402 = arith.constant 0 : i32
      %dma_start3A_403 = tpu.memref_slice %arg8[%multiple_of3A_396, %dma_start3A_402] : memref<320000x128xf32, #tpu.memory_space<hbm>> -> memref<80x128xf32, #tpu.memory_space<hbm>>
      %dma_start3A_404 = arith.constant 0 : i32
      %dma_start3A_405 = tpu.memref_slice %arg8[%multiple_of3A_396, %dma_start3A_404] : memref<320000x128xf32, #tpu.memory_space<hbm>> -> memref<80x128xf32, #tpu.memory_space<hbm>>
      %dma_start3A_406 = arith.constant 0 : i32
      %dma_start3A_407 = arith.constant 0 : i32
      %dma_start3A_408 = tpu.memref_slice %arg19[%dma_start3A_397, %dma_start3A_406, %dma_start3A_407] : memref<5x80x128xf32, #tpu.memory_space<vmem>> -> memref<1x80x128xf32, #tpu.memory_space<vmem>>
      %dma_start3A_409 = tpu.memref_squeeze %dma_start3A_408 : memref<1x80x128xf32, #tpu.memory_space<vmem>> -> memref<80x128xf32, #tpu.memory_space<vmem>>
      tpu.enqueue_dma source(%dma_start3A_409 : memref<80x128xf32, #tpu.memory_space<vmem>>) target(%dma_start3A_405 : memref<80x128xf32, #tpu.memory_space<hbm>>) target_semaphore(%arg29 : memref<!tpu.dma_semaphore, #tpu.memory_space<semaphore_mem>>)
      %add3A_410 = arith.constant 2 : i32
      %add3A_411 = arith.addi %add3A_366, %add3A_410 : i32
      %ge3A_412 = arith.constant 5 : i32
      %ge3A_413 = arith.cmpi sge, %add3A_411, %ge3A_412 : i32
      %lt3A_414 = arith.constant 125 : i32
      %lt3A_415 = arith.cmpi slt, %add3A_411, %lt3A_414 : i32
      %and3A_416 = arith.andi %ge3A_413, %lt3A_415 : i1
      %convert_element_type3A_417 = arith.extui %and3A_416 : i1 to i32
      %cond3A_418 = arith.constant 0 : i32
      %cond3A_419 = arith.cmpi ne, %convert_element_type3A_417, %cond3A_418 : i32
      scf.if %cond3A_419 {
        %sub3A = arith.constant 5 : i32
        %sub3A_475 = arith.subi %add3A_411, %sub3A : i32
        %mul3A_476 = arith.constant 80 : i32
        %mul3A_477 = arith.muli %sub3A_475, %mul3A_476 : i32
        %add3A_478 = arith.addi %mul3A_2, %mul3A_477 : i32
        %multiple_of3A_479 = tpu.assume_multiple %add3A_478, 8 : i32
        %dma_wait3A_480 = arith.constant 0 : i32
        %dma_wait3A_481 = arith.constant 0 : i32
        %dma_wait3A_482 = arith.constant 0 : i32
        %dma_wait3A_483 = tpu.memref_slice %arg19[%dma_wait3A_480, %dma_wait3A_481, %dma_wait3A_482] : memref<5x80x128xf32, #tpu.memory_space<vmem>> -> memref<1x80x128xf32, #tpu.memory_space<vmem>>
        %dma_wait3A_484 = tpu.memref_squeeze %dma_wait3A_483 : memref<1x80x128xf32, #tpu.memory_space<vmem>> -> memref<80x128xf32, #tpu.memory_space<vmem>>
        %dma_wait3A_485 = arith.constant 0 : i32
        %dma_wait3A_486 = tpu.memref_slice %arg8[%multiple_of3A_479, %dma_wait3A_485] : memref<320000x128xf32, #tpu.memory_space<hbm>> -> memref<80x128xf32, #tpu.memory_space<hbm>>
        %dma_wait3A_487 = arith.constant 0 : i32
        %dma_wait3A_488 = tpu.memref_slice %arg8[%multiple_of3A_479, %dma_wait3A_487] : memref<320000x128xf32, #tpu.memory_space<hbm>> -> memref<80x128xf32, #tpu.memory_space<hbm>>
        %dma_wait3A_489 = arith.constant 0 : i32
        %dma_wait3A_490 = arith.constant 0 : i32
        %dma_wait3A_491 = tpu.memref_slice %arg19[%dma_wait3A_480, %dma_wait3A_489, %dma_wait3A_490] : memref<5x80x128xf32, #tpu.memory_space<vmem>> -> memref<1x80x128xf32, #tpu.memory_space<vmem>>
        %dma_wait3A_492 = tpu.memref_squeeze %dma_wait3A_491 : memref<1x80x128xf32, #tpu.memory_space<vmem>> -> memref<80x128xf32, #tpu.memory_space<vmem>>
        tpu.wait_dma2 semaphore(%arg26 : memref<!tpu.dma_semaphore, #tpu.memory_space<semaphore_mem>>) src(%dma_wait3A_492 : memref<80x128xf32, #tpu.memory_space<vmem>>) dst(%dma_wait3A_488 : memref<80x128xf32, #tpu.memory_space<hbm>>)
        %mul3A_493 = arith.constant 80 : i32
        %mul3A_494 = arith.muli %add3A_411, %mul3A_493 : i32
        %add3A_495 = arith.addi %mul3A_2, %mul3A_494 : i32
        %multiple_of3A_496 = tpu.assume_multiple %add3A_495, 8 : i32
        %dma_start3A_497 = arith.constant 0 : i32
        %dma_start3A_498 = arith.constant 0 : i32
        %dma_start3A_499 = arith.constant 0 : i32
        %dma_start3A_500 = tpu.memref_slice %arg19[%dma_start3A_497, %dma_start3A_498, %dma_start3A_499] : memref<5x80x128xf32, #tpu.memory_space<vmem>> -> memref<1x80x128xf32, #tpu.memory_space<vmem>>
        %dma_start3A_501 = tpu.memref_squeeze %dma_start3A_500 : memref<1x80x128xf32, #tpu.memory_space<vmem>> -> memref<80x128xf32, #tpu.memory_space<vmem>>
        %dma_start3A_502 = arith.constant 0 : i32
        %dma_start3A_503 = tpu.memref_slice %arg6[%multiple_of3A_496, %dma_start3A_502] : memref<320000x128xf32, #tpu.memory_space<hbm>> -> memref<80x128xf32, #tpu.memory_space<hbm>>
        %dma_start3A_504 = arith.constant 0 : i32
        %dma_start3A_505 = arith.constant 0 : i32
        %dma_start3A_506 = tpu.memref_slice %arg19[%dma_start3A_497, %dma_start3A_504, %dma_start3A_505] : memref<5x80x128xf32, #tpu.memory_space<vmem>> -> memref<1x80x128xf32, #tpu.memory_space<vmem>>
        %dma_start3A_507 = tpu.memref_squeeze %dma_start3A_506 : memref<1x80x128xf32, #tpu.memory_space<vmem>> -> memref<80x128xf32, #tpu.memory_space<vmem>>
        %dma_start3A_508 = arith.constant 0 : i32
        %dma_start3A_509 = tpu.memref_slice %arg6[%multiple_of3A_496, %dma_start3A_508] : memref<320000x128xf32, #tpu.memory_space<hbm>> -> memref<80x128xf32, #tpu.memory_space<hbm>>
        tpu.enqueue_dma source(%dma_start3A_509 : memref<80x128xf32, #tpu.memory_space<hbm>>) target(%dma_start3A_507 : memref<80x128xf32, #tpu.memory_space<vmem>>) target_semaphore(%arg21 : memref<!tpu.dma_semaphore, #tpu.memory_space<semaphore_mem>>)
      } else {
      }
      %add3A_420 = arith.constant 4 : i32
      %add3A_421 = arith.addi %mul3A_205, %add3A_420 : i32
      %mul3A_422 = arith.constant 80 : i32
      %mul3A_423 = arith.muli %add3A_421, %mul3A_422 : i32
      %add3A_424 = arith.addi %mul3A_2, %mul3A_423 : i32
      %multiple_of3A_425 = tpu.assume_multiple %add3A_424, 8 : i32
      %dma_wait3A_426 = arith.constant 4 : i32
      %dma_wait3A_427 = arith.constant 0 : i32
      %dma_wait3A_428 = arith.constant 0 : i32
      %dma_wait3A_429 = tpu.memref_slice %arg19[%dma_wait3A_426, %dma_wait3A_427, %dma_wait3A_428] : memref<5x80x128xf32, #tpu.memory_space<vmem>> -> memref<1x80x128xf32, #tpu.memory_space<vmem>>
      %dma_wait3A_430 = tpu.memref_squeeze %dma_wait3A_429 : memref<1x80x128xf32, #tpu.memory_space<vmem>> -> memref<80x128xf32, #tpu.memory_space<vmem>>
      %dma_wait3A_431 = arith.constant 0 : i32
      %dma_wait3A_432 = tpu.memref_slice %arg6[%multiple_of3A_425, %dma_wait3A_431] : memref<320000x128xf32, #tpu.memory_space<hbm>> -> memref<80x128xf32, #tpu.memory_space<hbm>>
      %dma_wait3A_433 = arith.constant 0 : i32
      %dma_wait3A_434 = arith.constant 0 : i32
      %dma_wait3A_435 = tpu.memref_slice %arg19[%dma_wait3A_426, %dma_wait3A_433, %dma_wait3A_434] : memref<5x80x128xf32, #tpu.memory_space<vmem>> -> memref<1x80x128xf32, #tpu.memory_space<vmem>>
      %dma_wait3A_436 = tpu.memref_squeeze %dma_wait3A_435 : memref<1x80x128xf32, #tpu.memory_space<vmem>> -> memref<80x128xf32, #tpu.memory_space<vmem>>
      %dma_wait3A_437 = arith.constant 0 : i32
      %dma_wait3A_438 = tpu.memref_slice %arg6[%multiple_of3A_425, %dma_wait3A_437] : memref<320000x128xf32, #tpu.memory_space<hbm>> -> memref<80x128xf32, #tpu.memory_space<hbm>>
      tpu.wait_dma2 semaphore(%arg25 : memref<!tpu.dma_semaphore, #tpu.memory_space<semaphore_mem>>) src(%dma_wait3A_438 : memref<80x128xf32, #tpu.memory_space<hbm>>) dst(%dma_wait3A_436 : memref<80x128xf32, #tpu.memory_space<vmem>>)
      %mul3A_439 = arith.constant 80 : i32
      %mul3A_440 = arith.muli %add3A_421, %mul3A_439 : i32
      %broadcast_in_dim3A_441 = vector.broadcast %mul3A_440 : i32 to vector<16xi32>
      %scan3A_442 = arith.constant 0 : i32
      %scan3A_443 = arith.constant 0 : i32
      %scan3A_444 = arith.constant 80 : i32
      %scan3A_445 = arith.addi %scan3A_443, %scan3A_444 : i32
      %scan3A_446 = arith.constant 1 : i32
      scf.for %scan3A_475 = %scan3A_443 to %scan3A_445 step %scan3A_446  : i32 {
        %add3A_476 = vector.broadcast %scan3A_475 : i32 to vector<16xi32>
        %add3A_477 = arith.addi %broadcast_in_dim3A_441, %add3A_476 : vector<16xi32>
        %gather3A = tpu.vector_load_idx %arg18[%add3A_477] : memref<10000xf32, #tpu.memory_space<vmem>>[vector<16xi32>], vector<16xf32>,
        %get3A = arith.constant 4 : i32
        %get3A_478 = arith.index_cast %get3A : i32 to index
        %get3A_479 = arith.index_cast %scan3A_475 : i32 to index
        %get3A_480 = arith.constant 0 : index
        %get3A_481 = tpu.vector_load %arg19[%get3A_478, %get3A_479, %get3A_480] {strides = array<i32>} : memref<5x80x128xf32, #tpu.memory_space<vmem>>, vector<16xf32>,
        %mul3A_482 = arith.mulf %get3A_481, %gather3A : vector<16xf32>
        %swap3A = arith.constant 4 : i32
        %swap3A_483 = arith.index_cast %swap3A : i32 to index
        %swap3A_484 = arith.index_cast %scan3A_475 : i32 to index
        %swap3A_485 = arith.constant 0 : index
        %swap3A_486 = tpu.vector_load %arg19[%swap3A_483, %swap3A_484, %swap3A_485] {strides = array<i32>} : memref<5x80x128xf32, #tpu.memory_space<vmem>>, vector<16xf32>,
        tpu.vector_store %arg19[%swap3A_483, %swap3A_484, %swap3A_485], %mul3A_482 {strides = array<i32>} : memref<5x80x128xf32, #tpu.memory_space<vmem>>, vector<16xf32>,
        %get3A_487 = arith.constant 4 : i32
        %get3A_488 = arith.index_cast %get3A_487 : i32 to index
        %get3A_489 = arith.index_cast %scan3A_475 : i32 to index
        %get3A_490 = arith.constant 16 : index
        %get3A_491 = tpu.vector_load %arg19[%get3A_488, %get3A_489, %get3A_490] {strides = array<i32>} : memref<5x80x128xf32, #tpu.memory_space<vmem>>, vector<16xf32>,
        %mul3A_492 = arith.mulf %get3A_491, %gather3A : vector<16xf32>
        %swap3A_493 = arith.constant 4 : i32
        %swap3A_494 = arith.index_cast %swap3A_493 : i32 to index
        %swap3A_495 = arith.index_cast %scan3A_475 : i32 to index
        %swap3A_496 = arith.constant 16 : index
        %swap3A_497 = tpu.vector_load %arg19[%swap3A_494, %swap3A_495, %swap3A_496] {strides = array<i32>} : memref<5x80x128xf32, #tpu.memory_space<vmem>>, vector<16xf32>,
        tpu.vector_store %arg19[%swap3A_494, %swap3A_495, %swap3A_496], %mul3A_492 {strides = array<i32>} : memref<5x80x128xf32, #tpu.memory_space<vmem>>, vector<16xf32>,
        %get3A_498 = arith.constant 4 : i32
        %get3A_499 = arith.index_cast %get3A_498 : i32 to index
        %get3A_500 = arith.index_cast %scan3A_475 : i32 to index
        %get3A_501 = arith.constant 32 : index
        %get3A_502 = tpu.vector_load %arg19[%get3A_499, %get3A_500, %get3A_501] {strides = array<i32>} : memref<5x80x128xf32, #tpu.memory_space<vmem>>, vector<16xf32>,
        %mul3A_503 = arith.mulf %get3A_502, %gather3A : vector<16xf32>
        %swap3A_504 = arith.constant 4 : i32
        %swap3A_505 = arith.index_cast %swap3A_504 : i32 to index
        %swap3A_506 = arith.index_cast %scan3A_475 : i32 to index
        %swap3A_507 = arith.constant 32 : index
        %swap3A_508 = tpu.vector_load %arg19[%swap3A_505, %swap3A_506, %swap3A_507] {strides = array<i32>} : memref<5x80x128xf32, #tpu.memory_space<vmem>>, vector<16xf32>,
        tpu.vector_store %arg19[%swap3A_505, %swap3A_506, %swap3A_507], %mul3A_503 {strides = array<i32>} : memref<5x80x128xf32, #tpu.memory_space<vmem>>, vector<16xf32>,
        %get3A_509 = arith.constant 4 : i32
        %get3A_510 = arith.index_cast %get3A_509 : i32 to index
        %get3A_511 = arith.index_cast %scan3A_475 : i32 to index
        %get3A_512 = arith.constant 48 : index
        %get3A_513 = tpu.vector_load %arg19[%get3A_510, %get3A_511, %get3A_512] {strides = array<i32>} : memref<5x80x128xf32, #tpu.memory_space<vmem>>, vector<16xf32>,
        %mul3A_514 = arith.mulf %get3A_513, %gather3A : vector<16xf32>
        %swap3A_515 = arith.constant 4 : i32
        %swap3A_516 = arith.index_cast %swap3A_515 : i32 to index
        %swap3A_517 = arith.index_cast %scan3A_475 : i32 to index
        %swap3A_518 = arith.constant 48 : index
        %swap3A_519 = tpu.vector_load %arg19[%swap3A_516, %swap3A_517, %swap3A_518] {strides = array<i32>} : memref<5x80x128xf32, #tpu.memory_space<vmem>>, vector<16xf32>,
        tpu.vector_store %arg19[%swap3A_516, %swap3A_517, %swap3A_518], %mul3A_514 {strides = array<i32>} : memref<5x80x128xf32, #tpu.memory_space<vmem>>, vector<16xf32>,
        %get3A_520 = arith.constant 4 : i32
        %get3A_521 = arith.index_cast %get3A_520 : i32 to index
        %get3A_522 = arith.index_cast %scan3A_475 : i32 to index
        %get3A_523 = arith.constant 64 : index
        %get3A_524 = tpu.vector_load %arg19[%get3A_521, %get3A_522, %get3A_523] {strides = array<i32>} : memref<5x80x128xf32, #tpu.memory_space<vmem>>, vector<16xf32>,
        %mul3A_525 = arith.mulf %get3A_524, %gather3A : vector<16xf32>
        %swap3A_526 = arith.constant 4 : i32
        %swap3A_527 = arith.index_cast %swap3A_526 : i32 to index
        %swap3A_528 = arith.index_cast %scan3A_475 : i32 to index
        %swap3A_529 = arith.constant 64 : index
        %swap3A_530 = tpu.vector_load %arg19[%swap3A_527, %swap3A_528, %swap3A_529] {strides = array<i32>} : memref<5x80x128xf32, #tpu.memory_space<vmem>>, vector<16xf32>,
        tpu.vector_store %arg19[%swap3A_527, %swap3A_528, %swap3A_529], %mul3A_525 {strides = array<i32>} : memref<5x80x128xf32, #tpu.memory_space<vmem>>, vector<16xf32>,
        %get3A_531 = arith.constant 4 : i32
        %get3A_532 = arith.index_cast %get3A_531 : i32 to index
        %get3A_533 = arith.index_cast %scan3A_475 : i32 to index
        %get3A_534 = arith.constant 80 : index
        %get3A_535 = tpu.vector_load %arg19[%get3A_532, %get3A_533, %get3A_534] {strides = array<i32>} : memref<5x80x128xf32, #tpu.memory_space<vmem>>, vector<16xf32>,
        %mul3A_536 = arith.mulf %get3A_535, %gather3A : vector<16xf32>
        %swap3A_537 = arith.constant 4 : i32
        %swap3A_538 = arith.index_cast %swap3A_537 : i32 to index
        %swap3A_539 = arith.index_cast %scan3A_475 : i32 to index
        %swap3A_540 = arith.constant 80 : index
        %swap3A_541 = tpu.vector_load %arg19[%swap3A_538, %swap3A_539, %swap3A_540] {strides = array<i32>} : memref<5x80x128xf32, #tpu.memory_space<vmem>>, vector<16xf32>,
        tpu.vector_store %arg19[%swap3A_538, %swap3A_539, %swap3A_540], %mul3A_536 {strides = array<i32>} : memref<5x80x128xf32, #tpu.memory_space<vmem>>, vector<16xf32>,
        %get3A_542 = arith.constant 4 : i32
        %get3A_543 = arith.index_cast %get3A_542 : i32 to index
        %get3A_544 = arith.index_cast %scan3A_475 : i32 to index
        %get3A_545 = arith.constant 96 : index
        %get3A_546 = tpu.vector_load %arg19[%get3A_543, %get3A_544, %get3A_545] {strides = array<i32>} : memref<5x80x128xf32, #tpu.memory_space<vmem>>, vector<16xf32>,
        %mul3A_547 = arith.mulf %get3A_546, %gather3A : vector<16xf32>
        %swap3A_548 = arith.constant 4 : i32
        %swap3A_549 = arith.index_cast %swap3A_548 : i32 to index
        %swap3A_550 = arith.index_cast %scan3A_475 : i32 to index
        %swap3A_551 = arith.constant 96 : index
        %swap3A_552 = tpu.vector_load %arg19[%swap3A_549, %swap3A_550, %swap3A_551] {strides = array<i32>} : memref<5x80x128xf32, #tpu.memory_space<vmem>>, vector<16xf32>,
        tpu.vector_store %arg19[%swap3A_549, %swap3A_550, %swap3A_551], %mul3A_547 {strides = array<i32>} : memref<5x80x128xf32, #tpu.memory_space<vmem>>, vector<16xf32>,
        %get3A_553 = arith.constant 4 : i32
        %get3A_554 = arith.index_cast %get3A_553 : i32 to index
        %get3A_555 = arith.index_cast %scan3A_475 : i32 to index
        %get3A_556 = arith.constant 112 : index
        %get3A_557 = tpu.vector_load %arg19[%get3A_554, %get3A_555, %get3A_556] {strides = array<i32>} : memref<5x80x128xf32, #tpu.memory_space<vmem>>, vector<16xf32>,
        %mul3A_558 = arith.mulf %get3A_557, %gather3A : vector<16xf32>
        %swap3A_559 = arith.constant 4 : i32
        %swap3A_560 = arith.index_cast %swap3A_559 : i32 to index
        %swap3A_561 = arith.index_cast %scan3A_475 : i32 to index
        %swap3A_562 = arith.constant 112 : index
        %swap3A_563 = tpu.vector_load %arg19[%swap3A_560, %swap3A_561, %swap3A_562] {strides = array<i32>} : memref<5x80x128xf32, #tpu.memory_space<vmem>>, vector<16xf32>,
        tpu.vector_store %arg19[%swap3A_560, %swap3A_561, %swap3A_562], %mul3A_558 {strides = array<i32>} : memref<5x80x128xf32, #tpu.memory_space<vmem>>, vector<16xf32>,
      }
      %scan3A_447 = arith.constant 80 : i32
      %mul3A_448 = arith.constant 80 : i32
      %mul3A_449 = arith.muli %add3A_421, %mul3A_448 : i32
      %add3A_450 = arith.addi %mul3A_2, %mul3A_449 : i32
      %multiple_of3A_451 = tpu.assume_multiple %add3A_450, 8 : i32
      %dma_start3A_452 = arith.constant 4 : i32
      %dma_start3A_453 = arith.constant 0 : i32
      %dma_start3A_454 = arith.constant 0 : i32
      %dma_start3A_455 = tpu.memref_slice %arg19[%dma_start3A_452, %dma_start3A_453, %dma_start3A_454] : memref<5x80x128xf32, #tpu.memory_space<vmem>> -> memref<1x80x128xf32, #tpu.memory_space<vmem>>
      %dma_start3A_456 = tpu.memref_squeeze %dma_start3A_455 : memref<1x80x128xf32, #tpu.memory_space<vmem>> -> memref<80x128xf32, #tpu.memory_space<vmem>>
      %dma_start3A_457 = arith.constant 0 : i32
      %dma_start3A_458 = tpu.memref_slice %arg8[%multiple_of3A_451, %dma_start3A_457] : memref<320000x128xf32, #tpu.memory_space<hbm>> -> memref<80x128xf32, #tpu.memory_space<hbm>>
      %dma_start3A_459 = arith.constant 0 : i32
      %dma_start3A_460 = tpu.memref_slice %arg8[%multiple_of3A_451, %dma_start3A_459] : memref<320000x128xf32, #tpu.memory_space<hbm>> -> memref<80x128xf32, #tpu.memory_space<hbm>>
      %dma_start3A_461 = arith.constant 0 : i32
      %dma_start3A_462 = arith.constant 0 : i32
      %dma_start3A_463 = tpu.memref_slice %arg19[%dma_start3A_452, %dma_start3A_461, %dma_start3A_462] : memref<5x80x128xf32, #tpu.memory_space<vmem>> -> memref<1x80x128xf32, #tpu.memory_space<vmem>>
      %dma_start3A_464 = tpu.memref_squeeze %dma_start3A_463 : memref<1x80x128xf32, #tpu.memory_space<vmem>> -> memref<80x128xf32, #tpu.memory_space<vmem>>
      tpu.enqueue_dma source(%dma_start3A_464 : memref<80x128xf32, #tpu.memory_space<vmem>>) target(%dma_start3A_460 : memref<80x128xf32, #tpu.memory_space<hbm>>) target_semaphore(%arg30 : memref<!tpu.dma_semaphore, #tpu.memory_space<semaphore_mem>>)
      %add3A_465 = arith.constant 2 : i32
      %add3A_466 = arith.addi %add3A_421, %add3A_465 : i32
      %ge3A_467 = arith.constant 5 : i32
      %ge3A_468 = arith.cmpi sge, %add3A_466, %ge3A_467 : i32
      %lt3A_469 = arith.constant 125 : i32
      %lt3A_470 = arith.cmpi slt, %add3A_466, %lt3A_469 : i32
      %and3A_471 = arith.andi %ge3A_468, %lt3A_470 : i1
      %convert_element_type3A_472 = arith.extui %and3A_471 : i1 to i32
      %cond3A_473 = arith.constant 0 : i32
      %cond3A_474 = arith.cmpi ne, %convert_element_type3A_472, %cond3A_473 : i32
      scf.if %cond3A_474 {
        %sub3A = arith.constant 5 : i32
        %sub3A_475 = arith.subi %add3A_466, %sub3A : i32
        %mul3A_476 = arith.constant 80 : i32
        %mul3A_477 = arith.muli %sub3A_475, %mul3A_476 : i32
        %add3A_478 = arith.addi %mul3A_2, %mul3A_477 : i32
        %multiple_of3A_479 = tpu.assume_multiple %add3A_478, 8 : i32
        %dma_wait3A_480 = arith.constant 1 : i32
        %dma_wait3A_481 = arith.constant 0 : i32
        %dma_wait3A_482 = arith.constant 0 : i32
        %dma_wait3A_483 = tpu.memref_slice %arg19[%dma_wait3A_480, %dma_wait3A_481, %dma_wait3A_482] : memref<5x80x128xf32, #tpu.memory_space<vmem>> -> memref<1x80x128xf32, #tpu.memory_space<vmem>>
        %dma_wait3A_484 = tpu.memref_squeeze %dma_wait3A_483 : memref<1x80x128xf32, #tpu.memory_space<vmem>> -> memref<80x128xf32, #tpu.memory_space<vmem>>
        %dma_wait3A_485 = arith.constant 0 : i32
        %dma_wait3A_486 = tpu.memref_slice %arg8[%multiple_of3A_479, %dma_wait3A_485] : memref<320000x128xf32, #tpu.memory_space<hbm>> -> memref<80x128xf32, #tpu.memory_space<hbm>>
        %dma_wait3A_487 = arith.constant 0 : i32
        %dma_wait3A_488 = tpu.memref_slice %arg8[%multiple_of3A_479, %dma_wait3A_487] : memref<320000x128xf32, #tpu.memory_space<hbm>> -> memref<80x128xf32, #tpu.memory_space<hbm>>
        %dma_wait3A_489 = arith.constant 0 : i32
        %dma_wait3A_490 = arith.constant 0 : i32
        %dma_wait3A_491 = tpu.memref_slice %arg19[%dma_wait3A_480, %dma_wait3A_489, %dma_wait3A_490] : memref<5x80x128xf32, #tpu.memory_space<vmem>> -> memref<1x80x128xf32, #tpu.memory_space<vmem>>
        %dma_wait3A_492 = tpu.memref_squeeze %dma_wait3A_491 : memref<1x80x128xf32, #tpu.memory_space<vmem>> -> memref<80x128xf32, #tpu.memory_space<vmem>>
        tpu.wait_dma2 semaphore(%arg27 : memref<!tpu.dma_semaphore, #tpu.memory_space<semaphore_mem>>) src(%dma_wait3A_492 : memref<80x128xf32, #tpu.memory_space<vmem>>) dst(%dma_wait3A_488 : memref<80x128xf32, #tpu.memory_space<hbm>>)
        %mul3A_493 = arith.constant 80 : i32
        %mul3A_494 = arith.muli %add3A_466, %mul3A_493 : i32
        %add3A_495 = arith.addi %mul3A_2, %mul3A_494 : i32
        %multiple_of3A_496 = tpu.assume_multiple %add3A_495, 8 : i32
        %dma_start3A_497 = arith.constant 1 : i32
        %dma_start3A_498 = arith.constant 0 : i32
        %dma_start3A_499 = arith.constant 0 : i32
        %dma_start3A_500 = tpu.memref_slice %arg19[%dma_start3A_497, %dma_start3A_498, %dma_start3A_499] : memref<5x80x128xf32, #tpu.memory_space<vmem>> -> memref<1x80x128xf32, #tpu.memory_space<vmem>>
        %dma_start3A_501 = tpu.memref_squeeze %dma_start3A_500 : memref<1x80x128xf32, #tpu.memory_space<vmem>> -> memref<80x128xf32, #tpu.memory_space<vmem>>
        %dma_start3A_502 = arith.constant 0 : i32
        %dma_start3A_503 = tpu.memref_slice %arg6[%multiple_of3A_496, %dma_start3A_502] : memref<320000x128xf32, #tpu.memory_space<hbm>> -> memref<80x128xf32, #tpu.memory_space<hbm>>
        %dma_start3A_504 = arith.constant 0 : i32
        %dma_start3A_505 = arith.constant 0 : i32
        %dma_start3A_506 = tpu.memref_slice %arg19[%dma_start3A_497, %dma_start3A_504, %dma_start3A_505] : memref<5x80x128xf32, #tpu.memory_space<vmem>> -> memref<1x80x128xf32, #tpu.memory_space<vmem>>
        %dma_start3A_507 = tpu.memref_squeeze %dma_start3A_506 : memref<1x80x128xf32, #tpu.memory_space<vmem>> -> memref<80x128xf32, #tpu.memory_space<vmem>>
        %dma_start3A_508 = arith.constant 0 : i32
        %dma_start3A_509 = tpu.memref_slice %arg6[%multiple_of3A_496, %dma_start3A_508] : memref<320000x128xf32, #tpu.memory_space<hbm>> -> memref<80x128xf32, #tpu.memory_space<hbm>>
        tpu.enqueue_dma source(%dma_start3A_509 : memref<80x128xf32, #tpu.memory_space<hbm>>) target(%dma_start3A_507 : memref<80x128xf32, #tpu.memory_space<vmem>>) target_semaphore(%arg22 : memref<!tpu.dma_semaphore, #tpu.memory_space<semaphore_mem>>)
      } else {
      }
    }
    %scan3A_114 = arith.constant 25 : i32
    %add3A_115 = arith.constant 9600 : i32
    %add3A_116 = arith.addi %mul3A_2, %add3A_115 : i32
    %multiple_of3A_117 = tpu.assume_multiple %add3A_116, 8 : i32
    %dma_wait3A_118 = arith.constant 0 : i32
    %dma_wait3A_119 = arith.constant 0 : i32
    %dma_wait3A_120 = arith.constant 0 : i32
    %dma_wait3A_121 = tpu.memref_slice %arg19[%dma_wait3A_118, %dma_wait3A_119, %dma_wait3A_120] : memref<5x80x128xf32, #tpu.memory_space<vmem>> -> memref<1x80x128xf32, #tpu.memory_space<vmem>>
    %dma_wait3A_122 = tpu.memref_squeeze %dma_wait3A_121 : memref<1x80x128xf32, #tpu.memory_space<vmem>> -> memref<80x128xf32, #tpu.memory_space<vmem>>
    %dma_wait3A_123 = arith.constant 0 : i32
    %dma_wait3A_124 = tpu.memref_slice %arg8[%multiple_of3A_117, %dma_wait3A_123] : memref<320000x128xf32, #tpu.memory_space<hbm>> -> memref<80x128xf32, #tpu.memory_space<hbm>>
    %dma_wait3A_125 = arith.constant 0 : i32
    %dma_wait3A_126 = tpu.memref_slice %arg8[%multiple_of3A_117, %dma_wait3A_125] : memref<320000x128xf32, #tpu.memory_space<hbm>> -> memref<80x128xf32, #tpu.memory_space<hbm>>
    %dma_wait3A_127 = arith.constant 0 : i32
    %dma_wait3A_128 = arith.constant 0 : i32
    %dma_wait3A_129 = tpu.memref_slice %arg19[%dma_wait3A_118, %dma_wait3A_127, %dma_wait3A_128] : memref<5x80x128xf32, #tpu.memory_space<vmem>> -> memref<1x80x128xf32, #tpu.memory_space<vmem>>
    %dma_wait3A_130 = tpu.memref_squeeze %dma_wait3A_129 : memref<1x80x128xf32, #tpu.memory_space<vmem>> -> memref<80x128xf32, #tpu.memory_space<vmem>>
    tpu.wait_dma2 semaphore(%arg26 : memref<!tpu.dma_semaphore, #tpu.memory_space<semaphore_mem>>) src(%dma_wait3A_130 : memref<80x128xf32, #tpu.memory_space<vmem>>) dst(%dma_wait3A_126 : memref<80x128xf32, #tpu.memory_space<hbm>>)
    %add3A_131 = arith.constant 9680 : i32
    %add3A_132 = arith.addi %mul3A_2, %add3A_131 : i32
    %multiple_of3A_133 = tpu.assume_multiple %add3A_132, 8 : i32
    %dma_wait3A_134 = arith.constant 1 : i32
    %dma_wait3A_135 = arith.constant 0 : i32
    %dma_wait3A_136 = arith.constant 0 : i32
    %dma_wait3A_137 = tpu.memref_slice %arg19[%dma_wait3A_134, %dma_wait3A_135, %dma_wait3A_136] : memref<5x80x128xf32, #tpu.memory_space<vmem>> -> memref<1x80x128xf32, #tpu.memory_space<vmem>>
    %dma_wait3A_138 = tpu.memref_squeeze %dma_wait3A_137 : memref<1x80x128xf32, #tpu.memory_space<vmem>> -> memref<80x128xf32, #tpu.memory_space<vmem>>
    %dma_wait3A_139 = arith.constant 0 : i32
    %dma_wait3A_140 = tpu.memref_slice %arg8[%multiple_of3A_133, %dma_wait3A_139] : memref<320000x128xf32, #tpu.memory_space<hbm>> -> memref<80x128xf32, #tpu.memory_space<hbm>>
    %dma_wait3A_141 = arith.constant 0 : i32
    %dma_wait3A_142 = tpu.memref_slice %arg8[%multiple_of3A_133, %dma_wait3A_141] : memref<320000x128xf32, #tpu.memory_space<hbm>> -> memref<80x128xf32, #tpu.memory_space<hbm>>
    %dma_wait3A_143 = arith.constant 0 : i32
    %dma_wait3A_144 = arith.constant 0 : i32
    %dma_wait3A_145 = tpu.memref_slice %arg19[%dma_wait3A_134, %dma_wait3A_143, %dma_wait3A_144] : memref<5x80x128xf32, #tpu.memory_space<vmem>> -> memref<1x80x128xf32, #tpu.memory_space<vmem>>
    %dma_wait3A_146 = tpu.memref_squeeze %dma_wait3A_145 : memref<1x80x128xf32, #tpu.memory_space<vmem>> -> memref<80x128xf32, #tpu.memory_space<vmem>>
    tpu.wait_dma2 semaphore(%arg27 : memref<!tpu.dma_semaphore, #tpu.memory_space<semaphore_mem>>) src(%dma_wait3A_146 : memref<80x128xf32, #tpu.memory_space<vmem>>) dst(%dma_wait3A_142 : memref<80x128xf32, #tpu.memory_space<hbm>>)
    %add3A_147 = arith.constant 9760 : i32
    %add3A_148 = arith.addi %mul3A_2, %add3A_147 : i32
    %multiple_of3A_149 = tpu.assume_multiple %add3A_148, 8 : i32
    %dma_wait3A_150 = arith.constant 2 : i32
    %dma_wait3A_151 = arith.constant 0 : i32
    %dma_wait3A_152 = arith.constant 0 : i32
    %dma_wait3A_153 = tpu.memref_slice %arg19[%dma_wait3A_150, %dma_wait3A_151, %dma_wait3A_152] : memref<5x80x128xf32, #tpu.memory_space<vmem>> -> memref<1x80x128xf32, #tpu.memory_space<vmem>>
    %dma_wait3A_154 = tpu.memref_squeeze %dma_wait3A_153 : memref<1x80x128xf32, #tpu.memory_space<vmem>> -> memref<80x128xf32, #tpu.memory_space<vmem>>
    %dma_wait3A_155 = arith.constant 0 : i32
    %dma_wait3A_156 = tpu.memref_slice %arg8[%multiple_of3A_149, %dma_wait3A_155] : memref<320000x128xf32, #tpu.memory_space<hbm>> -> memref<80x128xf32, #tpu.memory_space<hbm>>
    %dma_wait3A_157 = arith.constant 0 : i32
    %dma_wait3A_158 = tpu.memref_slice %arg8[%multiple_of3A_149, %dma_wait3A_157] : memref<320000x128xf32, #tpu.memory_space<hbm>> -> memref<80x128xf32, #tpu.memory_space<hbm>>
    %dma_wait3A_159 = arith.constant 0 : i32
    %dma_wait3A_160 = arith.constant 0 : i32
    %dma_wait3A_161 = tpu.memref_slice %arg19[%dma_wait3A_150, %dma_wait3A_159, %dma_wait3A_160] : memref<5x80x128xf32, #tpu.memory_space<vmem>> -> memref<1x80x128xf32, #tpu.memory_space<vmem>>
    %dma_wait3A_162 = tpu.memref_squeeze %dma_wait3A_161 : memref<1x80x128xf32, #tpu.memory_space<vmem>> -> memref<80x128xf32, #tpu.memory_space<vmem>>
    tpu.wait_dma2 semaphore(%arg28 : memref<!tpu.dma_semaphore, #tpu.memory_space<semaphore_mem>>) src(%dma_wait3A_162 : memref<80x128xf32, #tpu.memory_space<vmem>>) dst(%dma_wait3A_158 : memref<80x128xf32, #tpu.memory_space<hbm>>)
    %add3A_163 = arith.constant 9840 : i32
    %add3A_164 = arith.addi %mul3A_2, %add3A_163 : i32
    %multiple_of3A_165 = tpu.assume_multiple %add3A_164, 8 : i32
    %dma_wait3A_166 = arith.constant 3 : i32
    %dma_wait3A_167 = arith.constant 0 : i32
    %dma_wait3A_168 = arith.constant 0 : i32
    %dma_wait3A_169 = tpu.memref_slice %arg19[%dma_wait3A_166, %dma_wait3A_167, %dma_wait3A_168] : memref<5x80x128xf32, #tpu.memory_space<vmem>> -> memref<1x80x128xf32, #tpu.memory_space<vmem>>
    %dma_wait3A_170 = tpu.memref_squeeze %dma_wait3A_169 : memref<1x80x128xf32, #tpu.memory_space<vmem>> -> memref<80x128xf32, #tpu.memory_space<vmem>>
    %dma_wait3A_171 = arith.constant 0 : i32
    %dma_wait3A_172 = tpu.memref_slice %arg8[%multiple_of3A_165, %dma_wait3A_171] : memref<320000x128xf32, #tpu.memory_space<hbm>> -> memref<80x128xf32, #tpu.memory_space<hbm>>
    %dma_wait3A_173 = arith.constant 0 : i32
    %dma_wait3A_174 = tpu.memref_slice %arg8[%multiple_of3A_165, %dma_wait3A_173] : memref<320000x128xf32, #tpu.memory_space<hbm>> -> memref<80x128xf32, #tpu.memory_space<hbm>>
    %dma_wait3A_175 = arith.constant 0 : i32
    %dma_wait3A_176 = arith.constant 0 : i32
    %dma_wait3A_177 = tpu.memref_slice %arg19[%dma_wait3A_166, %dma_wait3A_175, %dma_wait3A_176] : memref<5x80x128xf32, #tpu.memory_space<vmem>> -> memref<1x80x128xf32, #tpu.memory_space<vmem>>
    %dma_wait3A_178 = tpu.memref_squeeze %dma_wait3A_177 : memref<1x80x128xf32, #tpu.memory_space<vmem>> -> memref<80x128xf32, #tpu.memory_space<vmem>>
    tpu.wait_dma2 semaphore(%arg29 : memref<!tpu.dma_semaphore, #tpu.memory_space<semaphore_mem>>) src(%dma_wait3A_178 : memref<80x128xf32, #tpu.memory_space<vmem>>) dst(%dma_wait3A_174 : memref<80x128xf32, #tpu.memory_space<hbm>>)
    %add3A_179 = arith.constant 9920 : i32
    %add3A_180 = arith.addi %mul3A_2, %add3A_179 : i32
    %multiple_of3A_181 = tpu.assume_multiple %add3A_180, 8 : i32
    %dma_wait3A_182 = arith.constant 4 : i32
    %dma_wait3A_183 = arith.constant 0 : i32
    %dma_wait3A_184 = arith.constant 0 : i32
    %dma_wait3A_185 = tpu.memref_slice %arg19[%dma_wait3A_182, %dma_wait3A_183, %dma_wait3A_184] : memref<5x80x128xf32, #tpu.memory_space<vmem>> -> memref<1x80x128xf32, #tpu.memory_space<vmem>>
    %dma_wait3A_186 = tpu.memref_squeeze %dma_wait3A_185 : memref<1x80x128xf32, #tpu.memory_space<vmem>> -> memref<80x128xf32, #tpu.memory_space<vmem>>
    %dma_wait3A_187 = arith.constant 0 : i32
    %dma_wait3A_188 = tpu.memref_slice %arg8[%multiple_of3A_181, %dma_wait3A_187] : memref<320000x128xf32, #tpu.memory_space<hbm>> -> memref<80x128xf32, #tpu.memory_space<hbm>>
    %dma_wait3A_189 = arith.constant 0 : i32
    %dma_wait3A_190 = tpu.memref_slice %arg8[%multiple_of3A_181, %dma_wait3A_189] : memref<320000x128xf32, #tpu.memory_space<hbm>> -> memref<80x128xf32, #tpu.memory_space<hbm>>
    %dma_wait3A_191 = arith.constant 0 : i32
    %dma_wait3A_192 = arith.constant 0 : i32
    %dma_wait3A_193 = tpu.memref_slice %arg19[%dma_wait3A_182, %dma_wait3A_191, %dma_wait3A_192] : memref<5x80x128xf32, #tpu.memory_space<vmem>> -> memref<1x80x128xf32, #tpu.memory_space<vmem>>
    %dma_wait3A_194 = tpu.memref_squeeze %dma_wait3A_193 : memref<1x80x128xf32, #tpu.memory_space<vmem>> -> memref<80x128xf32, #tpu.memory_space<vmem>>
    tpu.wait_dma2 semaphore(%arg30 : memref<!tpu.dma_semaphore, #tpu.memory_space<semaphore_mem>>) src(%dma_wait3A_194 : memref<80x128xf32, #tpu.memory_space<vmem>>) dst(%dma_wait3A_190 : memref<80x128xf32, #tpu.memory_space<hbm>>)
    %dma_wait3A_195 = tpu.memref_slice %arg9[%mul3A_2] : memref<320000xi32, #tpu.memory_space<hbm>> -> memref<10000xi32, #tpu.memory_space<hbm>>
    %dma_wait3A_196 = tpu.memref_slice %arg9[%mul3A_2] : memref<320000xi32, #tpu.memory_space<hbm>> -> memref<10000xi32, #tpu.memory_space<hbm>>
    tpu.wait_dma2 semaphore(%arg20 : memref<!tpu.dma_semaphore, #tpu.memory_space<semaphore_mem>>) src(%arg14 : memref<10000xi32, #tpu.memory_space<vmem>>) dst(%dma_wait3A_196 : memref<10000xi32, #tpu.memory_space<hbm>>)
    %dma_wait3A_197 = tpu.memref_slice %arg10[%mul3A_2] : memref<320000xi32, #tpu.memory_space<hbm>> -> memref<10000xi32, #tpu.memory_space<hbm>>
    %dma_wait3A_198 = tpu.memref_slice %arg10[%mul3A_2] : memref<320000xi32, #tpu.memory_space<hbm>> -> memref<10000xi32, #tpu.memory_space<hbm>>
    tpu.wait_dma2 semaphore(%arg20 : memref<!tpu.dma_semaphore, #tpu.memory_space<semaphore_mem>>) src(%arg15 : memref<10000xi32, #tpu.memory_space<vmem>>) dst(%dma_wait3A_198 : memref<10000xi32, #tpu.memory_space<hbm>>)
    %dma_wait3A_199 = tpu.memref_slice %arg11[%mul3A_2] : memref<320000xf32, #tpu.memory_space<hbm>> -> memref<10000xf32, #tpu.memory_space<hbm>>
    %dma_wait3A_200 = tpu.memref_slice %arg11[%mul3A_2] : memref<320000xf32, #tpu.memory_space<hbm>> -> memref<10000xf32, #tpu.memory_space<hbm>>
    tpu.wait_dma2 semaphore(%arg20 : memref<!tpu.dma_semaphore, #tpu.memory_space<semaphore_mem>>) src(%arg16 : memref<10000xf32, #tpu.memory_space<vmem>>) dst(%dma_wait3A_200 : memref<10000xf32, #tpu.memory_space<hbm>>)
    %dma_wait3A_201 = tpu.memref_slice %arg12[%mul3A_2] : memref<320000xf32, #tpu.memory_space<hbm>> -> memref<10000xf32, #tpu.memory_space<hbm>>
    %dma_wait3A_202 = tpu.memref_slice %arg12[%mul3A_2] : memref<320000xf32, #tpu.memory_space<hbm>> -> memref<10000xf32, #tpu.memory_space<hbm>>
    tpu.wait_dma2 semaphore(%arg20 : memref<!tpu.dma_semaphore, #tpu.memory_space<semaphore_mem>>) src(%arg17 : memref<10000xf32, #tpu.memory_space<vmem>>) dst(%dma_wait3A_202 : memref<10000xf32, #tpu.memory_space<hbm>>)
    return
  }
}

</mosaic_0001>

<sc_bundles>
// kernel: kernel.3.cloned.1.call-start
scs
__scs_entry_jumppad:
0x0: {  	(pc) =	sbr.rel $0x88, $3  }
0x1: {  	(tag) =	ssettag $0x0;
	lr =	simm.s32 $0x1  }
0x2: {  	[smem:$0x3F9D] =	sst lr;
	_ =	strace $0xD0000000  }
0x3: {  	_ = 	snop  }
0x4: {  	_ = 	snop  }
0x5: {  	_ = 	snop  }
0x6: {  	_ = 	snop  }
0x7: {  	_ = 	snop  }
__scs_overlays_trampoline_lowered:
0x8: {  	[smem:$0x3FAC] =	sst s0  }
0x9: {  	[smem:$0x3FAD] =	sst s1  }
0xa: {  	[smem:$0x3FAE] =	sst s2  }
0xb: {  	[smem:$0x3FAF] =	sst s3  }
0xc: {  	[smem:$0x3FB0] =	sst s4  }
0xd: {  	[smem:$0x3FB1] =	sst s5  }
0xe: {  	[smem:$0x3FB2] =	sst s6  }
0xf: {  	[smem:$0x3FB3] =	sst s7  }
0x10: {  	[smem:$0x3FB4] =	sst s8  }
0x11: {  	[smem:$0x3FB5] =	sst s9;
	s0 =	simm.s32 @!p0 $0x0  }
0x12: {  	s1 =	sld [smem:$0x3F9B];
	s0 =	simm.s32 @p0 $0x1  }
0x13: {  	[smem:$0x3FB6] =	sst s0;
	s0 =	simm.s32 @!p1 $0x0  }
0x14: {  	s2 =	sld [smem:$0x3F9A];
	s0 =	simm.s32 @p1 $0x1  }
0x15: {  	[smem:$0x3FB7] =	sst s0;
	s0 =	simm.s32 @!p2 $0x0  }
0x16: {  	s3 =	sld [smem:$0x3FDB];
	s0 =	simm.s32 @p2 $0x1  }
0x17: {  	s4 =	simm.s32 $0x1BF5;
	[smem:$0x3FB9] =	sst s0  }
0x18: {  	s0 =	sld [smem:$0x3F9C];
	_ =	swait.ge [sflag:s4], $0x0  }
0x19: {  	s7 =	sld [smem:$0x3F9D]  }
0x1a: {  	s8 =	sadd.s32 $0xFFFFE003, lr  }
0x1b: {  	s9 =	sadd.s32 $0xFFFFFEF7, lr;
	s5 =	simm.s32 $0xFFFFFFFF;
	p2 =	slt.u32 s8, $0xFFFFF086  }
0x1c: {  	p1 =	slt.u32 s9, $0xF7A;
	s5 =	simm.s32 @!p2 $0x0  }
0x1d: {  	s5 =	simm.s32 @p1 $0x1;
	p0 =	seq.s32 s7, s2  }
0x1e: {  	s7 =	smul.u32 @!p0 $0xF7A, s2;
	p2 =	seq.s32 @!p0 s5, $0x0  }
0x1f: {  	s9 =	smul.u32 $0xF7A, s1;
	s8 =	simm.s32 @!p0 $0x1BF5;
	p2 =	por !p2, p0  }
0x20: {  	[sflag:s8] =	ssyncset.s32 @!p0 $0xFFFFF086;
	s6 =	sadd.s32 @!p0 s3, s7;
	s7 =	simm.s32 @!p0 $0x108  }
0x21: {  	s3 =	sadd.s32 s3, s9;
	s6 =	sadd.s32 @!p0 $0x88, s6;
	s7 =	simm.s32 @p2 $0x1082  }
0x22: {  	[simem:s7], [sflag:s8] =	dma.local @!p0 [hbm:s6], $0xF7A  }
0x23: {  	s9 =	sor.u32 $0xD0000000, s2;
	s6 =	simm.s32 $0x108;
	_ =	swait.ge @!p0 [sflag:s8], $0x0  }
0x24: {  	s3 =	sadd.s32 $0x88, s3;
	s6 =	simm.s32 @!p1 $0x1082;
	[sflag:s4] =	ssyncset.s32 $0xFFFFF086  }
0x25: {  	[simem:s6], [sflag:s4] =	dma.local [hbm:s3], $0xF7A  }
0x26: {  	[smem:$0x3F9D] =	sst s1;
	(tag) =	ssettag s2;
	_ =	strace s9  }
0x27: {  	s1 =	sld [smem:$0x3FAD]  }
0x28: {  	s2 =	sld [smem:$0x3FAE]  }
0x29: {  	s4 =	sld [smem:$0x3FB0]  }
0x2a: {  	p0 =	seq.s32 s5, $0x0;
	s5 =	sld [smem:$0x3FB1]  }
0x2b: {  	s6 =	sld [smem:$0x3FB2]  }
0x2c: {  	s7 =	sld [smem:$0x3FB3]  }
0x2d: {  	s3 =	simm.s32 $0x108;
	s8 =	sld [smem:$0x3FB4]  }
0x2e: {  	s3 =	simm.s32 @!p0 $0x1082;
	s9 =	sld [smem:$0x3FB5]  }
0x2f: {  	lr =	sadd.s32 s0, s3;
	s0 =	sld [smem:$0x3FAC]  }
0x30: {  	s3 =	sld [smem:$0x3FAF]  }
0x31: {  	[smem:$0x3FB8] =	sst s10  }
0x32: {  	s10 =	sld [smem:$0x3FB6];
	_ =	sdelay $0x3  }
0x33: {  	p0 =	seq.s32 s10, $0x1;
	s10 =	sld [smem:$0x3FB8];
	_ =	sdelay $0x3  }
0x34: {  	[smem:$0x3FB8] =	sst s10  }
0x35: {  	s10 =	sld [smem:$0x3FB7];
	_ =	sdelay $0x3  }
0x36: {  	p1 =	seq.s32 s10, $0x1;
	s10 =	sld [smem:$0x3FB8];
	_ =	sdelay $0x3  }
0x37: {  	[smem:$0x3FB8] =	sst s10  }
0x38: {  	s10 =	sld [smem:$0x3FB9]  }
0x39: {  	_ = 	snop;
	(pc) =	sbr.ind lr, $3  }
0x3a: {  	_ = 	snop  }
0x3b: {  	_ = 	snop  }
0x3c: {  	p2 =	seq.s32 s10, $0x1;
	s10 =	sld [smem:$0x3FB8]  }
0x3d: {  	_ =	shalt  }
0x3e: {  	_ =	shalt  }
0x3f: {  	_ =	shalt  }
0x40: {  	_ =	shalt  }
0x41: {  	_ =	shalt  }
0x42: {  	_ =	shalt  }
0x43: {  	_ =	shalt  }
0x44: {  	_ =	shalt  }
0x45: {  	_ =	shalt  }
0x46: {  	_ =	shalt  }
0x47: {  	_ =	shalt  }
0x48: {  	_ =	shalt  }
0x49: {  	_ =	shalt  }
0x4a: {  	_ =	shalt  }
0x4b: {  	_ =	shalt  }
0x4c: {  	_ =	shalt  }
0x4d: {  	_ =	shalt  }
0x4e: {  	_ =	shalt  }
0x4f: {  	_ =	shalt  }
0x50: {  	_ =	shalt  }
0x51: {  	_ =	shalt  }
0x52: {  	_ =	shalt  }
0x53: {  	_ =	shalt  }
0x54: {  	_ =	shalt  }
0x55: {  	_ =	shalt  }
0x56: {  	_ =	shalt  }
0x57: {  	_ =	shalt  }
0x58: {  	_ =	shalt  }
0x59: {  	_ =	shalt  }
0x5a: {  	_ =	shalt  }
0x5b: {  	_ =	shalt  }
0x5c: {  	_ =	shalt  }
0x5d: {  	_ =	shalt  }
0x5e: {  	_ =	shalt  }
0x5f: {  	_ =	shalt  }
0x60: {  	_ =	shalt  }
0x61: {  	_ =	shalt  }
0x62: {  	_ =	shalt  }
0x63: {  	_ =	shalt  }
0x64: {  	_ =	shalt  }
0x65: {  	_ =	shalt  }
0x66: {  	_ =	shalt  }
0x67: {  	_ =	shalt  }
0x68: {  	_ =	shalt  }
0x69: {  	_ =	shalt  }
0x6a: {  	_ =	shalt  }
0x6b: {  	_ =	shalt  }
0x6c: {  	_ =	shalt  }
0x6d: {  	_ =	shalt  }
0x6e: {  	_ =	shalt  }
0x6f: {  	_ =	shalt  }
0x70: {  	_ =	shalt  }
0x71: {  	_ =	shalt  }
0x72: {  	_ =	shalt  }
0x73: {  	_ =	shalt  }
0x74: {  	_ =	shalt  }
0x75: {  	_ =	shalt  }
0x76: {  	_ =	shalt  }
0x77: {  	_ =	shalt  }
0x78: {  	_ =	shalt  }
0x79: {  	_ =	shalt  }
0x7a: {  	_ =	shalt  }
0x7b: {  	_ =	shalt  }
0x7c: {  	_ =	shalt  }
0x7d: {  	_ =	shalt  }
0x7e: {  	_ =	shalt  }
0x7f: {  	_ =	shalt  }
0x80: {  	_ =	shalt  }
0x81: {  	_ =	shalt  }
0x82: {  	_ =	shalt  }
0x83: {  	_ =	shalt  }
0x84: {  	_ =	shalt  }
0x85: {  	_ =	shalt  }
0x86: {  	_ =	shalt  }
0x87: {  	_ =	shalt  }
.Lfunc_end0:
.L_simem_size_0:
called_computation_lowered:
.L_overlay_start_0:
0x88: {  	s2 =	sld [smem:$0x3FD9]  }
0x89: {  	s3 =	sld [smem:$0x3FFE];
	_ =	sdelay $0x1  }
0x8a: {  	s1 =	srdreg.scid  }
0x8b: {  	s0 =	sand.u32 $0x1, s1  }
0x8c: {  	s14 =	sshll.u32 s0, $0xA;
	s2 =	sadd.s32 s3, s2  }
0x8d: {  	s2 =	sadd.s32 s2, s14  }
0x8e: {  	[smem:$0x3FC4] =	sst s2  }
0x8f: {  	_ = 	snop  }
0x90: {  	s2 =	sld [smem:$0x3FD0];
	_ =	sdelay $0x2  }
0x91: {  	s4 =	simm.s32 $0xA;
	s5 =	simm.s32 $0x10;
	s15 =	sld [smem:$0x3FC9]  }
0x92: {  	[smem:s5], [sflag:s4] =	dma.local [hbm:s2], $0x1  }
0x93: {  	_ =	swait.eq [sflag:s4], $0x1  }
0x94: {  	s16 =	sld [smem:$0x10];
	[sflag:s4] =	ssyncset.done $0x0  }
0x95: {  	s17 =	sld [smem:$0x11];
	[sflag:s4] =	ssyncadd.s32 $0xFFFFFFFF  }
0x96: {  	s18 =	sld [smem:$0x12];
	(tm) =	ssettm $0x1  }
0x97: {  	s6 =	sld [smem:$0x3FFB];
	_ =	sdelay $0x3  }
0x98: {  	_ =	strace s6  }
0x99: {  	s6 =	sld [smem:$0x3FFC];
	_ =	sdelay $0x3  }
0x9a: {  	_ =	strace s6  }
0x9b: {  	s6 =	sld [smem:$0x3FFD];
	_ =	sdelay $0x3  }
0x9c: {  	_ =	strace s6  }
0x9d: {  	_ =	strace $0x8FFFFFFF  }
0x9e: {  	s19 =	sld [smem:$0x3FDB];
	_ =	sdelay $0x1  }
0x9f: {  	s7 =	simm.s32 $_scs_section_size  }
0xa0: {  	s8 =	simm.s32 $_size__tile_overlayer_lowered;
	s9 =	simm.s32 $_tile_overlayer_lowered  }
0xa1: {  	s22 =	simm.s32 $0x1BFF;
	s21 =	sshll.u32 s9, $0x1;
	s6 =	sadd.s32 s7, s19  }
0xa2: {  	s10 =	simm.s32 $0x0;
	s20 =	sshll.u32 s8, $0x1;
	s8 =	sadd.s32 s21, s6  }
0xa3: {  	[timem:s10], [sflag:s22] =	dma.local [hbm:s8], s20  }
0xa4: {  	_ =	swait.ge [sflag:s22], s20  }
0xa5: {  	s7 =	ssub.s32 $0x0, s20;
	[sflag:s22] =	ssyncset.done $0x0  }
0xa6: {  	[sflag:s22] =	ssyncadd.s32 s7;
	_ =	sdelay $0x1  }
0xa7: {  	s23 =	simm.s32 $0x1B8B  }
0xa8: {  	_ =	swait.ge [sflag:s23], $0x1  }
0xa9: {  	[sflag:s23] =	ssyncset.done $0x0  }
0xaa: {  	s25 =	simm.s32 $0x1B8E;
	s24 =	sld [smem:$0x3FFE];
	[sflag:s23] =	ssyncadd.s32 $0xFFFFFFFF  }
0xab: {  	s26 =	simm.s32 $execute0_lowered;
	[smem:$0x3FD2] =	sst s25  }
0xac: {  	s8 =	sshll.u32 s26, $0x1;
	_ =	strace $0x80000046;
	[dreg:$0x1] =	wrdreg $0xFFFFFFFF  }
0xad: {  	s28 =	simm.s32 $_size_execute0_lowered;
	s6 =	sadd.s32 s6, s8;
	[dreg:$0x0] =	wrdreg $0x0  }
0xae: {  	s8 =	sshll.u32 s28, $0x1;
	[dreg:$0x2] =	wrdreg s6  }
0xaf: {  	[dreg:$0x3] =	wrdreg s8  }
0xb0: {  	[dreg:$0x4] =	wrdreg $0xC0  }
0xb1: {  	_ =	task [dreg:s10], $0x5FFFF  }
0xb2: {  	[dreg:$0x1] =	wrdreg $0xFFFFFFFF  }
0xb3: {  	[dreg:$0x0] =	wrdreg $0x60  }
0xb4: {  	[dreg:$0x2] =	wrdreg s17  }
0xb5: {  	[dreg:$0x3] =	wrdreg s18  }
0xb6: {  	[dreg:$0x4] =	wrdreg s24  }
0xb7: {  	[dreg:$0x5] =	wrdreg s15  }
0xb8: {  	[dreg:$0x6] =	wrdreg s16  }
0xb9: {  	[dreg:$0x7] =	wrdreg $0x9  }
0xba: {  	_ =	task.clear_ibuf [dreg:s10], $0x8FFFF;
	_ =	strace $0x90000046  }
0xbb: {  	s29 =	simm.s32 $0x9;
	_ =	strace $0x80000048  }
0xbc: {  	_ =	swait.ge [sflag:s29], $0x1  }
0xbd: {  	[sflag:s29] =	ssyncadd.s32 $0xFFFFFFFF  }
0xbe: {  	_ =	strace $0x90000048  }
0xbf: {  	_ =	sfence  }
0xc0: {  	s30 =	sld [smem:$0x0];
	_ =	sdelay $0x2  }
0xc1: {  	s31 =	sshll.u32 s1, $0xD;
	s1 =	sshrl.u32 s1, $0x2  }
0xc2: {  	s3 =	sand.u32 $0x4000, s31;
	s1 =	sadd.s32 s1, s30  }
0xc3: {  	s0 =	sor.u32 s3, s0;
	s1 =	sshll.u32 s1, $0x11  }
0xc4: {  	s0 =	sor.u32 s1, s0  }
0xc5: {  	s0 =	sadd.s32 $0x8F2B, s0  }
0xc6: {  	[sflag:s0] =	ssyncadd.remote.s32 $0x1  }
0xc7: {  	_ =	sfence.sel $0xFFFF  }
0xc8: {  	[dreg:$0x0] =	wrdreg $0xFFFFFFFF;
	(pc) =	sbr.abs _section_cstart, $3  }
0xc9: {  	[dreg:$0x1] =	wrdreg $0xFFFFFFFF  }
0xca: {  	_ =	task.clear_ibuf [dreg:s10], $0x2FFFF;
	_ =	strace $0x9FFFFFFF  }
0xcb: {  	(tm) =	ssettm $0x7FFFFFFF  }
tec
execute0_lowered:
.L_overlay_start_1:
0x0: {  	(tag) =	ssettag $0x1  }
0x1: {  	s0 =	rddreg [dreg:$0x0]  }
0x2: {  	s1 =	rddreg [dreg:$0x1]  }
0x3: {  	s9 =	rddreg [dreg:$0x2];
	s2 =	srdreg.scid  }
0x4: {  	s4 =	stileid.u32;
	s3 =	rddreg [dreg:$0x3];
	s28 =	simm.s32 $0xED00  }
0x5: {  	s29 =	simm.s32 $0x11500;
	s30 =	simm.s32 $0x13D00;
	s31 =	simm.s32 $0x16500  }
0x6: {  	s12 =	simm.s32 $0x8;
	s2 =	sand.u32 $0x1, s2;
	s5 =	sshll.u32 s4, $0x1  }
0x7: {  	s4 =	rddreg [dreg:$0x4];
	s7 =	sor.u32 s2, s5;
	s2 =	ssub.s32 $0x2, s2  }
0x8: {  	s5 =	simm.s32 $0x0;
	s6 =	smul.u32 $0x2710, s7;
	s10 =	sshrl.u32 s2, $0x1  }
0x9: {  	s14 =	simm.s32 $0x0;
	[smem:$0x7FF] =	sst s5;
	s2 =	ssub.s32 s2, s10  }
0xa: {  	s11 =	smul.u32 $0x138800, s7;
	s8 =	sshrl.u32 s6, $0x3;
	s26 =	smax.u32 s2, $0x1  }
0xb: {  	_ =	strace $0x80000047;
	s0 =	sadd.s32 s0, s8;
	[dreg:$0x13] =	wrdreg s26  }
0xc: {  	s9 =	sadd.s32 s8, s9;
	s1 =	sadd.s32 s1, s8;
	[dreg:$0x6] =	wrdreg s0  }
0xd: {  	s15 =	smul.u32 $0x27100, s7;
	[dreg:$0x7] =	wrdreg s1;
	s16 =	sadd.s32 $0xA400, s9  }
0xe: {  	s17 =	sshrl.u32 s11, $0x3;
	s18 =	sadd.s32 $0x600, s9;
	[dreg:$0x8] =	wrdreg s16  }
0xf: {  	s19 =	sadd.s32 s3, s17;
	s0 =	sadd.s32 s3, s15;
	[dreg:$0x9] =	wrdreg s18  }
0x10: {  	s7 =	simm.s32 $0xC580;
	s1 =	sadd.s32 $0x500, s19;
	[dreg:$0xa] =	wrdreg s0  }
0x11: {  	s10 =	simm.s32 $0x5;
	s20 =	sadd.s32 $0xA00, s19;
	[dreg:$0xb] =	wrdreg s1  }
0x12: {  	s2 =	simm.s32 $0x18D00;
	s21 =	sadd.s32 $0xF00, s19;
	[dreg:$0xc] =	wrdreg s20  }
0x13: {  	s11 =	simm.s32 $0x6;
	s22 =	sadd.s32 $0x14200, s9;
	[dreg:$0xd] =	wrdreg s21  }
0x14: {  	s8 =	simm.s32 $0x3;
	s23 =	sadd.s32 $0x1E000, s9;
	[dreg:$0xf] =	wrdreg s22  }
.Ltmp0:
0x15: {  	s24 =	sadd.s32 $0x27E00, s9;
	[dreg:$0x10] =	wrdreg s23;
	(pc) =	sbr.rel .LBB2_1-.Ltmp0, $4  }
0x16: {  	s25 =	sadd.s32 $0x31C00, s9;
	s9 =	simm.s32 $0x4;
	[dreg:$0x11] =	wrdreg s24  }
0x17: {  	s0 =	sadd.s32 $0x1400, s19;
	[dreg:$0x12] =	wrdreg s25;
	s20 =	sadd.s32 $0x190, s6  }
0x18: {  	s21 =	sadd.s32 $0x1E0, s6;
	s19 =	simm.s32 $0x2780;
	s1 =	simm.s32 $0x2  }
0x19: {  	s25 =	simm.s32 $0xB;
	[dreg:$0xe] =	wrdreg s0;
	s0 =	simm.s32 $0x1  }
.LBB2_16:
0x1a: {  	s13 =	simm.s32 $0x7  }
0x1b: {  	_ =	swait.ge [sflag:s13], $0x2800  }
0x1c: {  	[sflag:s13] =	ssyncset.done $0x0  }
0x1d: {  	[sflag:s13] =	ssyncadd.s32 $0xFFFFD800  }
0x1e: {  	_ =	swait.ge [sflag:s12], $0x2800  }
0x1f: {  	[sflag:s12] =	ssyncset.done $0x0  }
0x20: {  	s23 =	simm.s32 $0x9;
	[sflag:s12] =	ssyncadd.s32 $0xFFFFD800  }
0x21: {  	_ =	swait.ge [sflag:s23], $0x2800  }
0x22: {  	[sflag:s23] =	ssyncset.done $0x0  }
0x23: {  	s24 =	simm.s32 $0xA;
	[sflag:s23] =	ssyncadd.s32 $0xFFFFD800  }
0x24: {  	_ =	swait.ge [sflag:s24], $0x2800  }
0x25: {  	[sflag:s24] =	ssyncset.done $0x0  }
0x26: {  	[sflag:s24] =	ssyncadd.s32 $0xFFFFD800  }
0x27: {  	_ =	swait.ge [sflag:s25], $0x2800  }
0x28: {  	[sflag:s25] =	ssyncset.done $0x0  }
0x29: {  	[sflag:s25] =	ssyncadd.s32 $0xFFFFD800  }
0x2a: {  	_ =	swait.ge [sflag:s0], $0x2710  }
0x2b: {  	[sflag:s0] =	ssyncset.done $0x0  }
0x2c: {  	[sflag:s0] =	ssyncadd.s32 $0xFFFFD8F0  }
0x2d: {  	_ =	swait.ge [sflag:s0], $0x2710  }
0x2e: {  	[sflag:s0] =	ssyncset.done $0x0  }
0x2f: {  	[sflag:s0] =	ssyncadd.s32 $0xFFFFD8F0  }
0x30: {  	_ =	swait.ge [sflag:s0], $0x2710  }
0x31: {  	[sflag:s0] =	ssyncset.done $0x0  }
0x32: {  	[sflag:s0] =	ssyncadd.s32 $0xFFFFD8F0  }
0x33: {  	_ =	swait.ge [sflag:s0], $0x2710  }
0x34: {  	s14 =	sadd.s32 $0x1, s14;
	s26 =	rddreg [dreg:$0x13]  }
0x35: {  	p0 =	sne.s32 s14, s26  }
.Ltmp1:
0x36: {  	_ = 	snop;
	(pc) =	sbr.rel @!p0 .LBB2_17-.Ltmp1, $3  }
0x37: {  	_ =	sdelay $0x1  }
0x38: {  	[sflag:s0] =	ssyncset.done $0x0  }
0x39: {  	s19 =	simm.s32 $0x2780;
	[sflag:s0] =	ssyncadd.s32 $0xFFFFD8F0  }
.LBB2_1:
0x3a: {  	s13 =	rddreg [dreg:$0x2]  }
0x3b: {  	[tilespmem:s5], [sflag:$0x1] =	stream.linear.gather [hbm4b:s13+s5], $0x2780, $0x38;
	[tilespmem:$0x1B500] =	vst v63  }
0x3c: {  	s22 =	rddreg [dreg:$0x6]  }
0x3d: {  	[tilespmem:s19], [sflag:$0x1] =	stream.linear.gather [hbm4b:s22+s5], $0x2710, $0x38;
	[tilespmem:$0x1B500] =	vst v63  }
0x3e: {  	s23 =	rddreg [dreg:$0x7];
	s15 =	simm.s32 $0x4F00  }
0x3f: {  	[tilespmem:s15], [sflag:$0x1] =	stream.linear.gather [hbm4b:s23+s5], $0x2710, $0x38;
	[tilespmem:$0x1B500] =	vst v63  }
0x40: {  	s24 =	rddreg [dreg:$0x8];
	s26 =	simm.s32 $0x7680  }
0x41: {  	[tilespmem:s26], [sflag:$0x1] =	stream.linear.gather [hbm4b:s24+s5], $0x2710, $0x38;
	[tilespmem:$0x1B500] =	vst v63  }
0x42: {  	s16 =	rddreg [dreg:$0x9];
	s17 =	simm.s32 $0x9E00  }
0x43: {  	[tilespmem:s17], [sflag:$0x1] =	stream.linear.gather [hbm4b:s16+s5], $0x2710, $0x38;
	[tilespmem:$0x1B500] =	vst v63  }
0x44: {  	s18 =	rddreg [dreg:$0xa]  }
0x45: {  	[tilespmem:s28], [sflag:$0x2] =	stream.linear.gather [hbm4b:s18+s5], $0x2800, $0x38;
	[tilespmem:$0x1B500] =	vst v63  }
0x46: {  	s22 =	rddreg [dreg:$0xb]  }
0x47: {  	[tilespmem:s29], [sflag:$0x3] =	stream.linear.gather [hbm4b:s22+s5], $0x2800, $0x38;
	[tilespmem:$0x1B500] =	vst v63  }
0x48: {  	s23 =	rddreg [dreg:$0xc]  }
0x49: {  	[tilespmem:s30], [sflag:$0x4] =	stream.linear.gather [hbm4b:s23+s5], $0x2800, $0x38;
	[tilespmem:$0x1B500] =	vst v63  }
0x4a: {  	s24 =	rddreg [dreg:$0xd]  }
0x4b: {  	[tilespmem:s31], [sflag:$0x5] =	stream.linear.gather [hbm4b:s24+s5], $0x2800, $0x38;
	[tilespmem:$0x1B500] =	vst v63  }
0x4c: {  	s26 =	rddreg [dreg:$0xe]  }
0x4d: {  	[tilespmem:s2], [sflag:$0x6] =	stream.linear.gather [hbm4b:s26+s5], $0x2800, $0x38;
	[tilespmem:$0x1B500] =	vst v63  }
0x4e: {  	_ =	swait.ge [sflag:s0], $0x2780  }
0x4f: {  	[sflag:s0] =	ssyncset.done $0x0  }
0x50: {  	[sflag:s0] =	ssyncadd.s32 $0xFFFFD880  }
0x51: {  	_ =	swait.ge [sflag:s0], $0x2710  }
0x52: {  	[sflag:s0] =	ssyncset.done $0x0  }
0x53: {  	[sflag:s0] =	ssyncadd.s32 $0xFFFFD8F0  }
0x54: {  	_ =	swait.ge [sflag:s0], $0x2710  }
0x55: {  	[sflag:s0] =	ssyncset.done $0x0  }
0x56: {  	[sflag:s0] =	ssyncadd.s32 $0xFFFFD8F0  }
0x57: {  	_ =	swait.ge [sflag:s0], $0x2710  }
0x58: {  	[sflag:s0] =	ssyncset.done $0x0  }
0x59: {  	[sflag:s0] =	ssyncadd.s32 $0xFFFFD8F0  }
0x5a: {  	_ =	swait.ge [sflag:s0], $0x2710  }
0x5b: {  	[sflag:s0] =	ssyncset.done $0x0  }
0x5c: {  	s15 =	simm.s32 $0x0;
	[sflag:s0] =	ssyncadd.s32 $0xFFFFD8F0  }
0x5d: {  	v0 =	vld [tilespmem:s15+$0x2780]  }
0x5e: {  	v1 =	vld [tilespmem:s15+$0x4F00];
	_ =	sdelay $0x5  }
0x5f: {  	v3 =	vld [tilespmem:s15+$0x2780]  }
0x60: {  	v0 =	vld.idx.msk [tilespmem:v0+s5+$0x0], $0xffff  }
0x61: {  	v1 =	vld.idx.msk [tilespmem:v1+s5+$0x0], $0xffff  }
0x62: {  	v4 =	vld [tilespmem:s15+$0x4F00]  }
0x63: {  	v5 =	vld [tilespmem:s15+$0x7680]  }
0x64: {  	v6 =	vld [tilespmem:s15+$0x9E00];
	_ =	sdelay $0x1  }
0x65: {  	v0 =	vand.u32 v0, v1  }
0x66: {  	v2 =	vcvt.s32.f32 v0;
	v1 =	vmul.u32 v0, v3;
	_ =	sdelay $0x1  }
0x67: {  	s16 =	simm.s32 $0x40;
	s17 =	simm.s32 $0x80;
	v0 =	vmul.u32 v0, v4;
	[tilespmem:s15+$0x2780] =	vst v1;
	v3 =	vmul.f32 v2, v5;
	v1 =	vmul.f32 v2, v6  }
.LBB2_2:
0x68: {  	p0 =	sne.s32 s17, $0x9C00  }
0x69: {  	s18 =	sshra.s32 s16, $0x2;
	[tilespmem:s15+$0xC580] =	vst v2;
	s16 =	smov.u32 s17;
	s17 =	sadd.s32 $0x40, s17  }
0x6a: {  	v2 =	vld [tilespmem:s18+$0x2780];
	[tilespmem:s15+$0x4F00] =	vst v0  }
0x6b: {  	v0 =	vld [tilespmem:s18+$0x4F00];
	[tilespmem:s15+$0x7680] =	vst v3  }
0x6c: {  	[tilespmem:s15+$0x9E00] =	vst v1;
	s15 =	smov.u32 s18;
	_ =	sdelay $0x5  }
0x6d: {  	v1 =	vld.idx.msk [tilespmem:v2+s5+$0x0], $0xffff  }
0x6e: {  	v0 =	vld.idx.msk [tilespmem:v0+s5+$0x0], $0xffff  }
0x6f: {  	v3 =	vld [tilespmem:s15+$0x2780]  }
0x70: {  	v4 =	vld [tilespmem:s15+$0x4F00]  }
0x71: {  	v5 =	vld [tilespmem:s15+$0x7680]  }
0x72: {  	v6 =	vld [tilespmem:s15+$0x9E00]  }
.Ltmp2:
0x73: {  	(pc) =	sbr.rel @p0 .LBB2_2-.Ltmp2, $3  }
0x74: {  	v0 =	vand.u32 v1, v0  }
0x75: {  	v2 =	vcvt.s32.f32 v0;
	v1 =	vmul.u32 v0, v3;
	v0 =	vmul.u32 v0, v4;
	_ =	sdelay $0x1  }
0x76: {  	v3 =	vmul.f32 v2, v5;
	[tilespmem:s15+$0x2780] =	vst v1;
	v1 =	vmul.f32 v2, v6  }
0x77: {  	s16 =	sshra.s32 s16, $0x2;
	[tilespmem:s15+$0xC580] =	vst v2  }
0x78: {  	v2 =	vld [tilespmem:s16+$0x2780];
	[tilespmem:s15+$0x4F00] =	vst v0  }
0x79: {  	v0 =	vld [tilespmem:s16+$0x4F00];
	_ =	sdelay $0x4  }
0x7a: {  	[tilespmem:s15+$0x7680] =	vst v3  }
0x7b: {  	[tilespmem:s15+$0x9E00] =	vst v1  }
0x7c: {  	v1 =	vld.idx.msk [tilespmem:v2+s5+$0x0], $0xffff  }
0x7d: {  	v0 =	vld.idx.msk [tilespmem:v0+s5+$0x0], $0xffff  }
0x7e: {  	v61 =	vld [tilespmem:s16+$0x2780];
	_ =	sdelay $0x1  }
0x7f: {  	v3 =	vld [tilespmem:s16+$0x4F00]  }
0x80: {  	v4 =	vld [tilespmem:s16+$0x7680]  }
0x81: {  	v5 =	vld [tilespmem:s16+$0x9E00];
	v0 =	vand.u32 v1, v0  }
0x82: {  	v1 =	vmul.u32 v0, v61  }
0x83: {  	v62 =	vcvt.s32.f32 v0  }
0x84: {  	v0 =	vmul.u32 v0, v3;
	[tilespmem:s16+$0x2780] =	vst v1  }
0x85: {  	v63 =	vmul.f32 v62, v4;
	[tilespmem:s16+$0xC580] =	vst v62  }
0x86: {  	v2 =	vmul.f32 v62, v5;
	[tilespmem:s16+$0x4F00] =	vst v0  }
0x87: {  	[tilespmem:s16+$0x7680] =	vst v63  }
0x88: {  	s26 =	simm.s32 $0x0;
	s13 =	rddreg [dreg:$0xf];
	[tilespmem:s16+$0x9E00] =	vst v2  }
0x89: {  	[hbm4b:s13+s26] =	stream.linear.scatter [tilespmem:s19], [sflag:$0x1], $0x2710, $0x38;
	[tilespmem:$0x1B500] =	vst v63  }
0x8a: {  	s17 =	rddreg [dreg:$0x10];
	s18 =	simm.s32 $0x4F00  }
0x8b: {  	[hbm4b:s17+s26] =	stream.linear.scatter [tilespmem:s18], [sflag:$0x1], $0x2710, $0x38;
	[tilespmem:$0x1B500] =	vst v63  }
0x8c: {  	s22 =	simm.s32 $0x7680;
	s19 =	rddreg [dreg:$0x11]  }
0x8d: {  	[hbm4b:s19+s26] =	stream.linear.scatter [tilespmem:s22], [sflag:$0x1], $0x2710, $0x38;
	[tilespmem:$0x1B500] =	vst v63  }
0x8e: {  	s23 =	rddreg [dreg:$0x12];
	s24 =	simm.s32 $0x9E00  }
0x8f: {  	[hbm4b:s23+s26] =	stream.linear.scatter [tilespmem:s24], [sflag:$0x1], $0x2710, $0x38;
	[tilespmem:$0x1B500] =	vst v63  }
.LBB2_4:
0x90: {  	s15 =	smul.u32 $0x190, s26;
	_ =	sdelay $0x1  }
0x91: {  	_ =	swait.ge [sflag:s1], $0x2800;
	s16 =	sadd.s32 $0x0, s15  }
0x92: {  	[sflag:s1] =	ssyncset.done $0x0;
	v0 =	vmov s16  }
0x93: {  	[sflag:s1] =	ssyncadd.s32 $0xFFFFD800;
	s16 =	simm.s32 $0xED40  }
0x94: {  	v4 =	vld [tilespmem:s16+$0x30]  }
0x95: {  	v7 =	vld [tilespmem:s16+$0x10]  }
0x96: {  	v5 =	vld [tilespmem:s16+$0xFFFFFFC0]  }
0x97: {  	v1 =	vld.idx.msk [tilespmem:v0+s7+$0x0], $0xffff  }
0x98: {  	v9 =	vld [tilespmem:s16+$0xFFFFFFE0]  }
0x99: {  	v2 =	vld [tilespmem:s16+$0x20]  }
0x9a: {  	v3 =	vld [tilespmem:s16+$0xFFFFFFD0]  }
0x9b: {  	v0 =	vld [tilespmem:s16+$0xFFFFFFF0]  }
0x9c: {  	v8 =	vmul.f32 v4, v1;
	v4 =	vld [tilespmem:s16+$0x0]  }
0x9d: {  	v6 =	vmul.f32 v5, v1  }
0x9e: {  	s17 =	simm.s32 $0x1;
	s18 =	simm.s32 $0xED40;
	v5 =	vmul.f32 v9, v1;
	v7 =	vmul.f32 v7, v1  }
.LBB2_5:
0x9f: {  	p0 =	sne.s32 s17, $0x4F  }
0xa0: {  	v3 =	vmul.f32 v3, v1;
	v2 =	vmul.f32 v2, v1;
	[tilespmem:s16+$0x30] =	vst v8;
	s18 =	sadd.s32 $0x80, s18;
	s19 =	smov.u32 s17;
	s17 =	sadd.s32 $0x1, s17  }
0xa1: {  	[tilespmem:s16+$0xFFFFFFC0] =	vst v6;
	v6 =	vmul.f32 v0, v1;
	v1 =	vmul.f32 v4, v1  }
0xa2: {  	s19 =	sadd.s32 s15, s19;
	[tilespmem:s16+$0x10] =	vst v7  }
0xa3: {  	v4 =	vmov s19;
	[tilespmem:s16+$0xFFFFFFE0] =	vst v5  }
0xa4: {  	v0 =	vld [tilespmem:s18+$0xFFFFFFF0];
	[tilespmem:s16+$0xFFFFFFF0] =	vst v6  }
0xa5: {  	v5 =	vld [tilespmem:s18+$0x30];
	[tilespmem:s16+$0x0] =	vst v1  }
0xa6: {  	v7 =	vld [tilespmem:s18+$0x10];
	[tilespmem:s16+$0x20] =	vst v2  }
0xa7: {  	v6 =	vld [tilespmem:s18+$0xFFFFFFC0];
	[tilespmem:s16+$0xFFFFFFD0] =	vst v3;
	s16 =	smov.u32 s18  }
0xa8: {  	v1 =	vld.idx.msk [tilespmem:v4+s7+$0x0], $0xffff  }
0xa9: {  	v9 =	vld [tilespmem:s18+$0xFFFFFFE0]  }
0xaa: {  	v2 =	vld [tilespmem:s18+$0x20]  }
.Ltmp3:
0xab: {  	v3 =	vld [tilespmem:s18+$0xFFFFFFD0];
	(pc) =	sbr.rel @p0 .LBB2_5-.Ltmp3, $3  }
0xac: {  	v4 =	vld [tilespmem:s18+$0x0];
	_ =	sdelay $0x1  }
0xad: {  	v6 =	vmul.f32 v6, v1;
	v8 =	vmul.f32 v5, v1  }
0xae: {  	v7 =	vmul.f32 v7, v1;
	v5 =	vmul.f32 v9, v1  }
0xaf: {  	[tilespmem:s16+$0x30] =	vst v8  }
0xb0: {  	[tilespmem:s16+$0xFFFFFFC0] =	vst v6  }
0xb1: {  	v0 =	vmul.f32 v0, v1;
	[tilespmem:s16+$0x10] =	vst v7  }
0xb2: {  	v2 =	vmul.f32 v2, v1;
	[tilespmem:s16+$0xFFFFFFE0] =	vst v5  }
0xb3: {  	v4 =	vmul.f32 v4, v1;
	[tilespmem:s16+$0xFFFFFFF0] =	vst v0  }
0xb4: {  	s17 =	sadd.s32 s6, s15;
	v0 =	vmul.f32 v3, v1;
	[tilespmem:s16+$0x20] =	vst v2  }
0xb5: {  	s17 =	sshll.u32 s17, $0x4;
	[tilespmem:s16+$0x0] =	vst v4  }
0xb6: {  	s17 =	sadd.s32 s4, s17;
	[tilespmem:s16+$0xFFFFFFD0] =	vst v0;
	s16 =	smul.u32 $0x5, s26  }
0xb7: {  	[hbm4b:s17+s5] =	stream.linear.scatter [tilespmem:s28], [sflag:$0x7], $0x2800, $0x38;
	[tilespmem:$0x1B500] =	vst v63  }
0xb8: {  	s23 =	sadd.s32 $0xFFFFFFFD, s16  }
0xb9: {  	s18 =	sadd.s32 $0x2, s16;
	p0 =	sgt.u32 s23, $0x77  }
0xba: {  	s17 =	simm.s32 @!p0 $0x9;
	s19 =	smul.u32 @!p0 $0x50, s18  }
0xbb: {  	_ =	swait.ge @!p0 [sflag:s17], $0x2800  }
0xbc: {  	[sflag:s17] =	ssyncset.done @!p0 $0x0;
	s19 =	sadd.s32 @!p0 s6, s19  }
0xbd: {  	[sflag:s17] =	ssyncadd.s32 @!p0 $0xFFFFD800;
	s17 =	sshll.u32 @!p0 s19, $0x4  }
0xbe: {  	s22 =	simm.s32 @!p0 $0x13D00;
	s19 =	simm.s32 @!p0 $0x0;
	s17 =	sadd.s32 @!p0 s3, s17  }
0xbf: {  	[tilespmem:s22], [sflag:$0x4] =	stream.linear.gather @!p0 [hbm4b:s17+s19], $0x2800, $0x38;
	[tilespmem:$0x1B500] =	vst v63  }
0xc0: {  	s17 =	sadd.s32 $0x50, s15  }
0xc1: {  	s24 =	sadd.s32 $0x0, s17;
	_ =	swait.ge [sflag:s8], $0x2800  }
0xc2: {  	v0 =	vmov s24;
	[sflag:s8] =	ssyncset.done $0x0  }
0xc3: {  	s19 =	simm.s32 $0x11570;
	[sflag:s8] =	ssyncadd.s32 $0xFFFFD800  }
0xc4: {  	v4 =	vld [tilespmem:s19+$0x0]  }
0xc5: {  	v7 =	vld [tilespmem:s19+$0xFFFFFFE0]  }
0xc6: {  	v5 =	vld [tilespmem:s19+$0xFFFFFF90]  }
0xc7: {  	v0 =	vld.idx.msk [tilespmem:v0+s7+$0x0], $0xffff  }
0xc8: {  	v9 =	vld [tilespmem:s19+$0xFFFFFFB0]  }
0xc9: {  	v1 =	vld [tilespmem:s19+$0xFFFFFFF0]  }
0xca: {  	v2 =	vld [tilespmem:s19+$0xFFFFFFC0]  }
0xcb: {  	v3 =	vld [tilespmem:s19+$0xFFFFFFA0]  }
0xcc: {  	v8 =	vmul.f32 v4, v0;
	v4 =	vld [tilespmem:s19+$0xFFFFFFD0]  }
0xcd: {  	v6 =	vmul.f32 v5, v0  }
0xce: {  	s23 =	simm.s32 $0x11570;
	s22 =	simm.s32 $0x1;
	v5 =	vmul.f32 v9, v0;
	v7 =	vmul.f32 v7, v0  }
.LBB2_7:
0xcf: {  	p0 =	sne.s32 s22, $0x4F  }
0xd0: {  	v3 =	vmul.f32 v3, v0;
	v9 =	vmul.f32 v1, v0;
	[tilespmem:s19+$0x0] =	vst v8;
	s23 =	sadd.s32 $0x80, s23;
	s24 =	smov.u32 s22;
	s22 =	sadd.s32 $0x1, s22  }
0xd1: {  	v2 =	vmul.f32 v2, v0;
	[tilespmem:s19+$0xFFFFFF90] =	vst v6;
	v0 =	vmul.f32 v4, v0  }
0xd2: {  	s24 =	sadd.s32 s17, s24;
	[tilespmem:s19+$0xFFFFFFE0] =	vst v7  }
0xd3: {  	v4 =	vmov s24;
	[tilespmem:s19+$0xFFFFFFB0] =	vst v5  }
0xd4: {  	v1 =	vld [tilespmem:s23+$0xFFFFFFF0];
	[tilespmem:s19+$0xFFFFFFC0] =	vst v2  }
0xd5: {  	v5 =	vld [tilespmem:s23+$0x0];
	[tilespmem:s19+$0xFFFFFFD0] =	vst v0  }
0xd6: {  	v2 =	vld [tilespmem:s23+$0xFFFFFFC0];
	[tilespmem:s19+$0xFFFFFFF0] =	vst v9  }
0xd7: {  	v7 =	vld [tilespmem:s23+$0xFFFFFFE0];
	[tilespmem:s19+$0xFFFFFFA0] =	vst v3;
	s19 =	smov.u32 s23  }
0xd8: {  	v0 =	vld.idx.msk [tilespmem:v4+s7+$0x0], $0xffff  }
0xd9: {  	v6 =	vld [tilespmem:s23+$0xFFFFFF90]  }
0xda: {  	v9 =	vld [tilespmem:s23+$0xFFFFFFB0]  }
.Ltmp4:
0xdb: {  	v3 =	vld [tilespmem:s23+$0xFFFFFFA0];
	(pc) =	sbr.rel @p0 .LBB2_7-.Ltmp4, $3  }
0xdc: {  	v4 =	vld [tilespmem:s23+$0xFFFFFFD0];
	_ =	sdelay $0x1  }
0xdd: {  	v8 =	vmul.f32 v5, v0;
	v6 =	vmul.f32 v6, v0  }
0xde: {  	v7 =	vmul.f32 v7, v0;
	v5 =	vmul.f32 v9, v0  }
0xdf: {  	[tilespmem:s19+$0x0] =	vst v8  }
0xe0: {  	[tilespmem:s19+$0xFFFFFF90] =	vst v6  }
0xe1: {  	v2 =	vmul.f32 v2, v0;
	[tilespmem:s19+$0xFFFFFFE0] =	vst v7  }
0xe2: {  	v1 =	vmul.f32 v1, v0;
	[tilespmem:s19+$0xFFFFFFB0] =	vst v5  }
0xe3: {  	v4 =	vmul.f32 v4, v0;
	[tilespmem:s19+$0xFFFFFFC0] =	vst v2  }
0xe4: {  	s17 =	sadd.s32 s6, s17;
	v0 =	vmul.f32 v3, v0;
	[tilespmem:s19+$0xFFFFFFF0] =	vst v1  }
0xe5: {  	s17 =	sshll.u32 s17, $0x4;
	[tilespmem:s19+$0xFFFFFFD0] =	vst v4  }
0xe6: {  	s23 =	sadd.s32 $0xFFFFFFFE, s16;
	s17 =	sadd.s32 s4, s17;
	[tilespmem:s19+$0xFFFFFFA0] =	vst v0  }
0xe7: {  	[hbm4b:s17+s5] =	stream.linear.scatter [tilespmem:s29], [sflag:$0x8], $0x2800, $0x38;
	[tilespmem:$0x1B500] =	vst v63  }
0xe8: {  	p0 =	sgt.u32 s23, $0x77;
	s17 =	sadd.s32 $0x3, s16  }
0xe9: {  	s19 =	smul.u32 @!p0 $0x50, s17  }
0xea: {  	s22 =	simm.s32 @!p0 $0xA  }
0xeb: {  	s18 =	smul.u32 $0x50, s18;
	_ =	swait.ge @!p0 [sflag:s22], $0x2800;
	s19 =	sadd.s32 @!p0 s6, s19  }
0xec: {  	s23 =	simm.s32 @!p0 $0x16500;
	[sflag:s22] =	ssyncset.done @!p0 $0x0;
	s19 =	sshll.u32 @!p0 s19, $0x4  }
0xed: {  	[sflag:s22] =	ssyncadd.s32 @!p0 $0xFFFFD800;
	s22 =	simm.s32 @!p0 $0x0;
	s19 =	sadd.s32 @!p0 s3, s19  }
0xee: {  	[tilespmem:s23], [sflag:$0x5] =	stream.linear.gather @!p0 [hbm4b:s19+s22], $0x2800, $0x38;
	[tilespmem:$0x1B500] =	vst v63  }
0xef: {  	s24 =	sadd.s32 $0x0, s18;
	_ =	swait.ge [sflag:s9], $0x2800  }
0xf0: {  	v0 =	vmov s24;
	[sflag:s9] =	ssyncset.done $0x0  }
0xf1: {  	s19 =	simm.s32 $0x0;
	[sflag:s9] =	ssyncadd.s32 $0xFFFFD800  }
0xf2: {  	v8 =	vld [tilespmem:s19+$0x13D20]  }
0xf3: {  	v7 =	vld [tilespmem:s19+$0x13D00]  }
0xf4: {  	v3 =	vld [tilespmem:s19+$0x13D50]  }
0xf5: {  	v0 =	vld.idx.msk [tilespmem:v0+s7+$0x0], $0xffff  }
0xf6: {  	v4 =	vld [tilespmem:s19+$0x13D30]  }
0xf7: {  	v2 =	vld [tilespmem:s19+$0x13D60]  }
0xf8: {  	v5 =	vld [tilespmem:s19+$0x13D40]  }
0xf9: {  	v6 =	vld [tilespmem:s19+$0x13D70]  }
0xfa: {  	s22 =	simm.s32 $0x0;
	s23 =	simm.s32 $0x200;
	v1 =	vld [tilespmem:s19+$0x13D10];
	v7 =	vmul.f32 v7, v0;
	v8 =	vmul.f32 v8, v0  }
.LBB2_9:
0xfb: {  	p0 =	sne.s32 s23, $0x9E00  }
0xfc: {  	v4 =	vmul.f32 v4, v0;
	v3 =	vmul.f32 v3, v0;
	s22 =	sadd.s32 $0x1, s22;
	s24 =	smov.u32 s23;
	s23 =	sadd.s32 $0x200, s23  }
0xfd: {  	v2 =	vmul.f32 v2, v0;
	[tilespmem:s19+$0x13D20] =	vst v8;
	v5 =	vmul.f32 v5, v0  }
0xfe: {  	s13 =	sadd.s32 s18, s22;
	[tilespmem:s19+$0x13D00] =	vst v7;
	v6 =	vmul.f32 v6, v0  }
0xff: {  	v7 =	vmov s13;
	[tilespmem:s19+$0x13D50] =	vst v3  }
0x100: {  	s13 =	sshra.s32 s24, $0x2;
	[tilespmem:s19+$0x13D70] =	vst v6  }
0x101: {  	v0 =	vmul.f32 v1, v0;
	v8 =	vld [tilespmem:s13+$0x13D20];
	[tilespmem:s19+$0x13D30] =	vst v4  }
0x102: {  	v9 =	vld [tilespmem:s13+$0x13D00];
	[tilespmem:s19+$0x13D40] =	vst v5  }
0x103: {  	v3 =	vld [tilespmem:s13+$0x13D50];
	[tilespmem:s19+$0x13D60] =	vst v2  }
0x104: {  	v4 =	vld [tilespmem:s13+$0x13D30];
	[tilespmem:s19+$0x13D10] =	vst v0;
	s19 =	smov.u32 s13  }
0x105: {  	v0 =	vld.idx.msk [tilespmem:v7+s7+$0x0], $0xffff  }
0x106: {  	v2 =	vld [tilespmem:s19+$0x13D60]  }
.Ltmp5:
0x107: {  	v1 =	vld [tilespmem:s19+$0x13D10];
	(pc) =	sbr.rel @p0 .LBB2_9-.Ltmp5, $3  }
0x108: {  	v5 =	vld [tilespmem:s19+$0x13D40]  }
0x109: {  	v6 =	vld [tilespmem:s19+$0x13D70];
	_ =	sdelay $0x1  }
0x10a: {  	v7 =	vmul.f32 v9, v0;
	v8 =	vmul.f32 v8, v0  }
0x10b: {  	_ = 	snop  }
0x10c: {  	v3 =	vmul.f32 v3, v0;
	[tilespmem:s19+$0x13D20] =	vst v8  }
0x10d: {  	v4 =	vmul.f32 v4, v0;
	[tilespmem:s19+$0x13D00] =	vst v7  }
0x10e: {  	v2 =	vmul.f32 v2, v0;
	[tilespmem:s19+$0x13D50] =	vst v3  }
0x10f: {  	v6 =	vmul.f32 v6, v0;
	[tilespmem:s19+$0x13D30] =	vst v4  }
0x110: {  	v3 =	vmul.f32 v5, v0;
	[tilespmem:s19+$0x13D60] =	vst v2  }
0x111: {  	s13 =	sadd.s32 s6, s18;
	v0 =	vmul.f32 v1, v0;
	[tilespmem:s19+$0x13D70] =	vst v6  }
0x112: {  	s23 =	sadd.s32 $0xFFFFFFFF, s16;
	s13 =	sshll.u32 s13, $0x4;
	[tilespmem:s19+$0x13D40] =	vst v3  }
0x113: {  	s16 =	sadd.s32 $0x4, s16;
	p0 =	sgt.u32 s23, $0x77;
	s13 =	sadd.s32 s4, s13;
	[tilespmem:s19+$0x13D10] =	vst v0  }
0x114: {  	[hbm4b:s13+s5] =	stream.linear.scatter [tilespmem:s30], [sflag:$0x9], $0x2800, $0x38;
	[tilespmem:$0x1B500] =	vst v63  }
0x115: {  	s13 =	smul.u32 @!p0 $0x50, s16  }
0x116: {  	s18 =	simm.s32 @!p0 $0xB  }
0x117: {  	s17 =	smul.u32 $0x50, s17;
	_ =	swait.ge @!p0 [sflag:s18], $0x2800;
	s13 =	sadd.s32 @!p0 s6, s13  }
0x118: {  	s19 =	simm.s32 @!p0 $0x18D00;
	[sflag:s18] =	ssyncset.done @!p0 $0x0;
	s13 =	sshll.u32 @!p0 s13, $0x4  }
0x119: {  	[sflag:s18] =	ssyncadd.s32 @!p0 $0xFFFFD800;
	s18 =	simm.s32 @!p0 $0x0;
	s13 =	sadd.s32 @!p0 s3, s13  }
0x11a: {  	[tilespmem:s19], [sflag:$0x6] =	stream.linear.gather @!p0 [hbm4b:s13+s18], $0x2800, $0x38;
	[tilespmem:$0x1B500] =	vst v63  }
0x11b: {  	s24 =	sadd.s32 $0x0, s17;
	_ =	swait.ge [sflag:s10], $0x2800  }
0x11c: {  	v0 =	vmov s24;
	[sflag:s10] =	ssyncset.done $0x0  }
0x11d: {  	s18 =	simm.s32 $0x0;
	[sflag:s10] =	ssyncadd.s32 $0xFFFFD800  }
0x11e: {  	v8 =	vld [tilespmem:s18+$0x16520]  }
0x11f: {  	v7 =	vld [tilespmem:s18+$0x16500]  }
0x120: {  	v3 =	vld [tilespmem:s18+$0x16550]  }
0x121: {  	v0 =	vld.idx.msk [tilespmem:v0+s7+$0x0], $0xffff  }
0x122: {  	v4 =	vld [tilespmem:s18+$0x16530]  }
0x123: {  	v2 =	vld [tilespmem:s18+$0x16560]  }
0x124: {  	v5 =	vld [tilespmem:s18+$0x16540]  }
0x125: {  	v6 =	vld [tilespmem:s18+$0x16570]  }
0x126: {  	s22 =	simm.s32 $0x200;
	s19 =	simm.s32 $0x0;
	v1 =	vld [tilespmem:s18+$0x16510];
	v7 =	vmul.f32 v7, v0;
	v8 =	vmul.f32 v8, v0  }
.LBB2_11:
0x127: {  	p0 =	sne.s32 s22, $0x9E00  }
0x128: {  	v4 =	vmul.f32 v4, v0;
	v3 =	vmul.f32 v3, v0;
	s19 =	sadd.s32 $0x1, s19;
	s13 =	smov.u32 s22;
	s22 =	sadd.s32 $0x200, s22  }
0x129: {  	v2 =	vmul.f32 v2, v0;
	[tilespmem:s18+$0x16520] =	vst v8;
	v5 =	vmul.f32 v5, v0  }
0x12a: {  	s23 =	sadd.s32 s17, s19;
	[tilespmem:s18+$0x16500] =	vst v7;
	v6 =	vmul.f32 v6, v0  }
0x12b: {  	v7 =	vmov s23;
	[tilespmem:s18+$0x16550] =	vst v3  }
0x12c: {  	s13 =	sshra.s32 s13, $0x2;
	[tilespmem:s18+$0x16570] =	vst v6  }
0x12d: {  	v0 =	vmul.f32 v1, v0;
	v8 =	vld [tilespmem:s13+$0x16520];
	[tilespmem:s18+$0x16530] =	vst v4  }
0x12e: {  	v9 =	vld [tilespmem:s13+$0x16500];
	[tilespmem:s18+$0x16540] =	vst v5  }
0x12f: {  	v3 =	vld [tilespmem:s13+$0x16550];
	[tilespmem:s18+$0x16560] =	vst v2  }
0x130: {  	v4 =	vld [tilespmem:s13+$0x16530];
	[tilespmem:s18+$0x16510] =	vst v0;
	s18 =	smov.u32 s13  }
0x131: {  	v0 =	vld.idx.msk [tilespmem:v7+s7+$0x0], $0xffff  }
0x132: {  	v2 =	vld [tilespmem:s18+$0x16560]  }
.Ltmp6:
0x133: {  	v1 =	vld [tilespmem:s18+$0x16510];
	(pc) =	sbr.rel @p0 .LBB2_11-.Ltmp6, $3  }
0x134: {  	v5 =	vld [tilespmem:s18+$0x16540]  }
0x135: {  	v6 =	vld [tilespmem:s18+$0x16570];
	_ =	sdelay $0x1  }
0x136: {  	v7 =	vmul.f32 v9, v0;
	v8 =	vmul.f32 v8, v0  }
0x137: {  	_ = 	snop  }
0x138: {  	v3 =	vmul.f32 v3, v0;
	[tilespmem:s18+$0x16520] =	vst v8  }
0x139: {  	v4 =	vmul.f32 v4, v0;
	[tilespmem:s18+$0x16500] =	vst v7  }
0x13a: {  	v2 =	vmul.f32 v2, v0;
	[tilespmem:s18+$0x16550] =	vst v3  }
0x13b: {  	v6 =	vmul.f32 v6, v0;
	[tilespmem:s18+$0x16530] =	vst v4  }
0x13c: {  	v3 =	vmul.f32 v5, v0;
	[tilespmem:s18+$0x16560] =	vst v2  }
0x13d: {  	s13 =	sadd.s32 s6, s17;
	v0 =	vmul.f32 v1, v0;
	[tilespmem:s18+$0x16570] =	vst v6  }
0x13e: {  	s13 =	sshll.u32 s13, $0x4;
	[tilespmem:s18+$0x16540] =	vst v3  }
0x13f: {  	p0 =	seq.s32 s26, $0x18;
	s13 =	sadd.s32 s4, s13;
	[tilespmem:s18+$0x16510] =	vst v0  }
0x140: {  	[hbm4b:s13+s5] =	stream.linear.scatter [tilespmem:s31], [sflag:$0xA], $0x2800, $0x38;
	[tilespmem:$0x1B500] =	vst v63  }
0x141: {  	s13 =	simm.s32 @!p0 $0x7  }
0x142: {  	s16 =	smul.u32 $0x50, s16;
	s17 =	sadd.s32 @!p0 s15, s20;
	_ =	swait.ge @!p0 [sflag:s13], $0x2800  }
0x143: {  	s17 =	sshll.u32 @!p0 s17, $0x4;
	s18 =	simm.s32 @!p0 $0xED00;
	[sflag:s13] =	ssyncset.done @!p0 $0x0  }
0x144: {  	[sflag:s13] =	ssyncadd.s32 @!p0 $0xFFFFD800;
	s13 =	sadd.s32 @!p0 s3, s17;
	s17 =	simm.s32 @!p0 $0x0  }
0x145: {  	[tilespmem:s18], [sflag:$0x2] =	stream.linear.gather @!p0 [hbm4b:s13+s17], $0x2800, $0x38;
	[tilespmem:$0x1B500] =	vst v63  }
0x146: {  	s24 =	sadd.s32 $0x0, s16;
	_ =	swait.ge [sflag:s11], $0x2800  }
0x147: {  	v0 =	vmov s24;
	[sflag:s11] =	ssyncset.done $0x0  }
0x148: {  	s17 =	simm.s32 $0x0;
	[sflag:s11] =	ssyncadd.s32 $0xFFFFD800  }
0x149: {  	v8 =	vld [tilespmem:s17+$0x18D20]  }
0x14a: {  	v7 =	vld [tilespmem:s17+$0x18D00]  }
0x14b: {  	v3 =	vld [tilespmem:s17+$0x18D50]  }
0x14c: {  	v0 =	vld.idx.msk [tilespmem:v0+s7+$0x0], $0xffff  }
0x14d: {  	v4 =	vld [tilespmem:s17+$0x18D30]  }
0x14e: {  	v2 =	vld [tilespmem:s17+$0x18D60]  }
0x14f: {  	v5 =	vld [tilespmem:s17+$0x18D40]  }
0x150: {  	v6 =	vld [tilespmem:s17+$0x18D70]  }
0x151: {  	s19 =	simm.s32 $0x200;
	s18 =	simm.s32 $0x0;
	v1 =	vld [tilespmem:s17+$0x18D10];
	v7 =	vmul.f32 v7, v0;
	v8 =	vmul.f32 v8, v0  }
.LBB2_13:
0x152: {  	p1 =	sne.s32 s19, $0x9E00  }
0x153: {  	v4 =	vmul.f32 v4, v0;
	v3 =	vmul.f32 v3, v0;
	s18 =	sadd.s32 $0x1, s18;
	s13 =	smov.u32 s19;
	s19 =	sadd.s32 $0x200, s19  }
0x154: {  	v2 =	vmul.f32 v2, v0;
	[tilespmem:s17+$0x18D20] =	vst v8;
	v5 =	vmul.f32 v5, v0  }
0x155: {  	s22 =	sadd.s32 s16, s18;
	[tilespmem:s17+$0x18D00] =	vst v7;
	v6 =	vmul.f32 v6, v0  }
0x156: {  	v7 =	vmov s22;
	[tilespmem:s17+$0x18D50] =	vst v3  }
0x157: {  	s13 =	sshra.s32 s13, $0x2;
	[tilespmem:s17+$0x18D70] =	vst v6  }
0x158: {  	v0 =	vmul.f32 v1, v0;
	v8 =	vld [tilespmem:s13+$0x18D20];
	[tilespmem:s17+$0x18D30] =	vst v4  }
0x159: {  	v9 =	vld [tilespmem:s13+$0x18D00];
	[tilespmem:s17+$0x18D40] =	vst v5  }
0x15a: {  	v3 =	vld [tilespmem:s13+$0x18D50];
	[tilespmem:s17+$0x18D60] =	vst v2  }
0x15b: {  	v4 =	vld [tilespmem:s13+$0x18D30];
	[tilespmem:s17+$0x18D10] =	vst v0;
	s17 =	smov.u32 s13  }
0x15c: {  	v0 =	vld.idx.msk [tilespmem:v7+s7+$0x0], $0xffff  }
0x15d: {  	v2 =	vld [tilespmem:s17+$0x18D60]  }
.Ltmp7:
0x15e: {  	v1 =	vld [tilespmem:s17+$0x18D10];
	(pc) =	sbr.rel @p1 .LBB2_13-.Ltmp7, $3  }
0x15f: {  	v5 =	vld [tilespmem:s17+$0x18D40]  }
0x160: {  	v6 =	vld [tilespmem:s17+$0x18D70];
	_ =	sdelay $0x1  }
0x161: {  	v7 =	vmul.f32 v9, v0;
	v8 =	vmul.f32 v8, v0  }
0x162: {  	_ = 	snop  }
0x163: {  	v3 =	vmul.f32 v3, v0;
	[tilespmem:s17+$0x18D20] =	vst v8  }
0x164: {  	v4 =	vmul.f32 v4, v0;
	[tilespmem:s17+$0x18D00] =	vst v7  }
0x165: {  	v2 =	vmul.f32 v2, v0;
	[tilespmem:s17+$0x18D50] =	vst v3  }
0x166: {  	v63 =	vmul.f32 v1, v0;
	[tilespmem:s17+$0x18D30] =	vst v4  }
.Ltmp8:
0x167: {  	v62 =	vmul.f32 v5, v0;
	[tilespmem:s17+$0x18D60] =	vst v2;
	(pc) =	sbr.rel @p0 .LBB2_16-.Ltmp8, $4  }
0x168: {  	s13 =	sadd.s32 s6, s16;
	v6 =	vmul.f32 v6, v0;
	[tilespmem:s17+$0x18D10] =	vst v63  }
0x169: {  	s13 =	sshll.u32 s13, $0x4;
	[tilespmem:s17+$0x18D40] =	vst v62  }
0x16a: {  	s13 =	sadd.s32 s4, s13;
	[tilespmem:s17+$0x18D70] =	vst v6  }
0x16b: {  	[hbm4b:s13+s5] =	stream.linear.scatter [tilespmem:s2], [sflag:$0xB], $0x2800, $0x38;
	[tilespmem:$0x1B500] =	vst v63  }
.Ltmp9:
0x16c: {  	(pc) =	sbr.rel .LBB2_4-.Ltmp9, $4  }
0x16d: {  	_ =	swait.ge [sflag:s12], $0x2800;
	s13 =	sadd.s32 s15, s21  }
0x16e: {  	[sflag:s12] =	ssyncset.done $0x0;
	s13 =	sshll.u32 s13, $0x4  }
0x16f: {  	s26 =	sadd.s32 $0x1, s26;
	[sflag:s12] =	ssyncadd.s32 $0xFFFFD800;
	s13 =	sadd.s32 s3, s13  }
0x170: {  	[tilespmem:s29], [sflag:$0x3] =	stream.linear.gather [hbm4b:s13+s5], $0x2800, $0x38;
	[tilespmem:$0x1B500] =	vst v63  }
.LBB2_17:
0x171: {  	_ =	sfence.sel $0x180000  }
0x172: {  	[bflag:$0x0] =	sbarrier.arrive $0xFFFF  }
0x173: {  	_ =	strace $0x90000047  }
0x174: {  	s0 =	stileid.u32;
	[bflag:$0x2] =	sbarrier.arrive $0xFFFF  }
0x175: {  	p0 =	sne.s32 s0, $0x0;
	s0 =	rddreg [dreg:$0x5]  }
0x176: {  	s0 =	sadd.s32 @!p0 $0x100000, s0  }
0x177: {  	[sflag:s0] =	ssyncadd.tile.s32 @!p0 $0x1;
	_ =	shalt  }
.Lfunc_end2:
_tile_overlayer_lowered:
.L_overlay_start_2:
0x178: {  	(tag) =	ssettag $0x2  }
0x179: {  	s0 =	rddreg [dreg:$0x0];
	s2 =	stileid.u32  }
0x17a: {  	s1 =	rddreg [dreg:$0x1];
	p0 =	sne.s32 s2, $0x0  }
0x17b: {  	s3 =	rddreg [dreg:$0x2];
	[bflag:$0x3] =	sbarrier.arrive $0xFFFF;
	s2 =	simm.s32 @!p0 $0x1C0C  }
0x17c: {  	[timem:s3], [sflag:s2] =	dma.local @!p0 [hbm:s0], s1  }
0x17d: {  	s0 =	simm.s32 @!p0 $0xC  }
0x17e: {  	_ =	swait.ge @!p0 [sflag:s0], s1  }
0x17f: {  	s1 =	ssub.s32 @!p0 $0x0, s1;
	[sflag:s0] =	ssyncset.done @!p0 $0x0  }
0x180: {  	[sflag:s0] =	ssyncadd.s32 @!p0 s1  }
0x181: {  	[bflag:$0x3] =	sbarrier.arrive $0xFFFF  }
0x182: {  	_ =	shalt  }

</sc_bundles>
